<compile_context>
chip_gen: v7x
topology: tpu7x:2x2x1
jax: 0.10.2.dev20260603
libtpu: 0.0.44.dev20260713+nightly
codegen_flags: <defaults>
</compile_context>

<pallas_src>
import functools

import jax
import jax.numpy as jnp
from jax import lax
from jax.experimental import pallas as pl
from jax.experimental.pallas import tpu as pltpu
from jax.experimental.pallas import tpu_sc as plsc

B, T, D = 64, 576, 64
K = 1024
TOK = B * T
DP = 128

BB = 2
BT = BB * T
G = TOK // BT
KC = 512
NKC = K // KC
RT = BT // 128

NC, NS = 2, 16
NW = NC * NS
CH = 128
NCHT = TOK // CH
NCH = NCHT // NW
NBUF = 3


def _argmin_body(x_ref, cb_ref, idx_ref, cbp_ref):
    halves = []
    for h in range(BB):
        xh = x_ref[h]
        best = jnp.full((1, T), jnp.inf, jnp.float32)
        besti = jnp.zeros((1, T), jnp.int32)
        iota = lax.broadcasted_iota(jnp.int32, (KC, T), 0)
        for c in range(NKC):
            cb_c = cb_ref[pl.ds(c * KC, KC), :]
            mm = lax.dot_general(cb_c, xh, (((1,), (0,)), ((), ())),
                                 preferred_element_type=jnp.float32)
            cbn = jnp.sum(cb_c * cb_c, axis=1)
            d = cbn[:, None] * 0.5 - mm
            m = jnp.min(d, axis=0, keepdims=True)
            i = jnp.min(jnp.where(d == m, iota, KC),
                        axis=0, keepdims=True)
            take = m < best
            besti = jnp.where(take, i + c * KC, besti)
            best = jnp.minimum(best, m)
        halves.append(besti)
    idx_ref[...] = jnp.concatenate(halves, axis=1).reshape(1, RT, CH)

    @pl.when(pl.program_id(0) == 0)
    def _():
        cbp_ref[...] = jnp.concatenate(
            [cb_ref[...], jnp.zeros((K, DP - D), jnp.float32)], axis=1)


_tc_argmin = pl.pallas_call(
    _argmin_body,
    grid=(G,),
    in_specs=[
        pl.BlockSpec((BB, D, T), lambda i: (i, 0, 0)),
        pl.BlockSpec((K, D), lambda i: (0, 0)),
    ],
    out_specs=[
        pl.BlockSpec((1, RT, CH), lambda i: (i, 0, 0)),
        pl.BlockSpec((K, DP), lambda i: (0, 0)),
    ],
    out_shape=[
        jax.ShapeDtypeStruct((G, RT, CH), jnp.int32),
        jax.ShapeDtypeStruct((K, DP), jnp.float32),
    ],
)


@functools.cache
def _make_sc_gather():
    @functools.partial(
        pl.kernel,
        out_type=jax.ShapeDtypeStruct((TOK, DP), jnp.float32),
        mesh=plsc.VectorSubcoreMesh(core_axis_name="c", subcore_axis_name="s"),
        scratch_types=[
            pltpu.VMEM((NCH, CH), jnp.int32),
            pltpu.VMEM((NBUF, CH, DP), jnp.float32),
            pltpu.SemaphoreType.DMA,
            pltpu.SemaphoreType.DMA,
            pltpu.SemaphoreType.DMA,
        ],
    )
    def _sc_gather(table_hbm, idx_hbm, out_hbm, idx_v, buf_v,
                   sem_i, sem_g, sem_w):
        wid = lax.axis_index("s") * NC + lax.axis_index("c")
        icp = [None] * NCH
        for t in range(NCH):
            m = wid + NW * t
            icp[t] = pltpu.async_copy(idx_hbm.at[m // RT, m % RT],
                                      idx_v.at[t], sem_i)
        gcp = [None] * NCH
        wcp = [None] * NCH
        for t in range(NCH):
            if t >= NBUF:
                wcp[t - NBUF].wait()
            icp[t].wait()
            gcp[t] = pltpu.async_copy(table_hbm.at[idx_v.at[t]],
                                      buf_v.at[t % NBUF], sem_g)
            if t >= 1:
                gcp[t - 1].wait()
                m = wid + NW * (t - 1)
                wcp[t - 1] = pltpu.async_copy(
                    buf_v.at[(t - 1) % NBUF],
                    out_hbm.at[pl.ds(m * CH, CH)], sem_w)
        gcp[NCH - 1].wait()
        m_last = wid + NW * (NCH - 1)
        wcp[NCH - 1] = pltpu.async_copy(
            buf_v.at[(NCH - 1) % NBUF],
            out_hbm.at[pl.ds(m_last * CH, CH)], sem_w)
        for t in range(NCH - NBUF, NCH):
            wcp[t].wait()

    return _sc_gather


def kernel(x, codebook):
    xt = jnp.swapaxes(x, 1, 2)
    idx, cbp = _tc_argmin(xt, codebook)
    q = _make_sc_gather()(cbp, idx)
    return q[:, :D].reshape(B, T, D)

# --- scband reference (transcript-rebuilt; emitter-appended) ---
"""Pipeline reference for scband-vector-quantizer-36541581754908 (READ-ONLY COPY).

The authoritative reference and input builder live on the scoring server;
editing this copy changes nothing except your own understanding.
"""

import jax, jax.numpy as jnp
import numpy as np

CODEBOOK_SIZE = 1024
CODEBOOK_DIM = 64

def _kaiming_uniform(key, shape):
    # torch kaiming_uniform_ default: a=sqrt(5) -> gain = sqrt(2/(1+5)) = sqrt(1/3)
    fan_in = shape[1]
    gain = np.sqrt(1.0 / 3.0)
    bound = gain * np.sqrt(3.0 / fan_in)
    return jax.random.uniform(key, shape, minval=-bound, maxval=bound, dtype=jnp.float32)

def setup_inputs(seed: int = 0) -> dict:
    key = jax.random.key(seed)
    k_x, k_cb = jax.random.split(key)
    x = jax.random.normal(k_x, (64, 576, 64), dtype=jnp.float32)
    codebook = _kaiming_uniform(k_cb, (CODEBOOK_SIZE, CODEBOOK_DIM))
    return {"x": x, "codebook": codebook}

def reference(x, codebook):
    x_norm = jnp.sum(x ** 2, axis=-1, keepdims=True)              # [B, T, 1]
    codebook_norm = jnp.sum(codebook ** 2, axis=-1)                # [K]
    dist = x_norm + codebook_norm[None, None, :] - 2.0 * (x @ codebook.T)  # [B, T, K]
    indices = jnp.argmin(dist, axis=-1)                            # [B, T]
    quantized = jnp.take(codebook, indices, axis=0)                # [B, T, D]
    out = x + jax.lax.stop_gradient(quantized - x)
    return out

if __name__ == "__main__":
    import jax
    _d = setup_inputs()
    print(jax.jit(kernel)(*tuple(_d.values())))

</pallas_src>

<mosaic_0001>
#map = affine_map<(d0, d1) -> (0, 0)>
#map1 = affine_map<(d0, d1) -> (0, 0, 0)>
module attributes {stable_mosaic.version = 14 : i64} {
  func.func @_sc_gather(%arg0: i32, %arg1: i32, %arg2: memref<1024x128xf32, #tpu.memory_space<hbm>>, %arg3: memref<32x9x128xi32, #tpu.memory_space<hbm>>, %arg4: memref<36864x128xf32, #tpu.memory_space<hbm>>, %arg5: memref<9x128xi32, #tpu.memory_space<vmem>>, %arg6: memref<3x128x128xf32, #tpu.memory_space<vmem>>, %arg7: memref<!tpu.dma_semaphore, #tpu.memory_space<semaphore_mem>>, %arg8: memref<!tpu.dma_semaphore, #tpu.memory_space<semaphore_mem>>, %arg9: memref<!tpu.dma_semaphore, #tpu.memory_space<semaphore_mem>>) attributes {dimension_semantics = [#tpu.dimension_semantics<core_parallel>, #tpu.dimension_semantics<subcore_parallel>], iteration_bounds = array<i64: 2, 16>, scalar_prefetch = 0 : i64, scratch_operands = 5 : i64, tpu.core_type = #tpu.core_type<sc_vector_subcore>, window_params = [{transform_indices = #map}, {transform_indices = #map1}, {transform_indices = #map}]} {
    %mul3A = arith.constant 2 : i32
    %mul3A_0 = arith.muli %arg1, %mul3A : i32
    %add3A = arith.addi %mul3A_0, %arg0 : i32
    %add3A_1 = arith.constant 0 : i32
    %add3A_2 = arith.addi %add3A, %add3A_1 : i32
    %jit3A = arith.constant 9 : i32
    %div3A = arith.divsi %add3A_2, %jit3A : i32
    %sign3A = arith.constant 0 : i32
    %sign3A_3 = arith.cmpi sgt, %add3A_2, %sign3A : i32
    %sign3A_4 = arith.extui %sign3A_3 : i1 to i32
    %sign3A_5 = arith.constant 0 : i32
    %sign3A_6 = arith.cmpi slt, %add3A_2, %sign3A_5 : i32
    %sign3A_7 = arith.extui %sign3A_6 : i1 to i32
    %sign3A_8 = arith.subi %sign3A_4, %sign3A_7 : i32
    %sign3A_9 = arith.constant 0 : i32
    %sign3A_10 = arith.cmpi sgt, %jit3A, %sign3A_9 : i32
    %sign3A_11 = arith.extui %sign3A_10 : i1 to i32
    %sign3A_12 = arith.constant 0 : i32
    %sign3A_13 = arith.cmpi slt, %jit3A, %sign3A_12 : i32
    %sign3A_14 = arith.extui %sign3A_13 : i1 to i32
    %sign3A_15 = arith.subi %sign3A_11, %sign3A_14 : i32
    %ne3A = arith.cmpi ne, %sign3A_8, %sign3A_15 : i32
    %rem3A = arith.remsi %add3A_2, %jit3A : i32
    %ne3A_16 = arith.constant 0 : i32
    %ne3A_17 = arith.cmpi ne, %rem3A, %ne3A_16 : i32
    %and3A = arith.andi %ne3A, %ne3A_17 : i1
    %sub3A = arith.constant 1 : i32
    %sub3A_18 = arith.subi %div3A, %sub3A : i32
    %select_n3A = arith.select %and3A, %sub3A_18, %div3A : i32
    %jit3A_19 = arith.constant 9 : i32
    %eq3A = arith.constant 0 : i32
    %eq3A_20 = arith.cmpi eq, %jit3A_19, %eq3A : i32
    %jit3A_21 = arith.constant 1 : i32
    %select_n3A_22 = arith.select %eq3A_20, %jit3A_21, %jit3A_19 : i32
    %rem3A_23 = arith.remsi %add3A_2, %select_n3A_22 : i32
    %ne3A_24 = arith.constant 0 : i32
    %ne3A_25 = arith.cmpi ne, %rem3A_23, %ne3A_24 : i32
    %lt3A = arith.constant 0 : i32
    %lt3A_26 = arith.cmpi slt, %rem3A_23, %lt3A : i32
    %lt3A_27 = arith.constant 0 : i32
    %lt3A_28 = arith.cmpi slt, %select_n3A_22, %lt3A_27 : i32
    %ne3A_29 = arith.xori %lt3A_26, %lt3A_28 : i1
    %and3A_30 = arith.andi %ne3A_29, %ne3A_25 : i1
    %add3A_31 = arith.addi %rem3A_23, %select_n3A_22 : i32
    %select_n3A_32 = arith.select %and3A_30, %add3A_31, %rem3A_23 : i32
    %dma_start3A = arith.constant 0 : i32
    %dma_start3A_33 = arith.constant 0 : i32
    %dma_start3A_34 = tpu.memref_slice %arg5[%dma_start3A, %dma_start3A_33] : memref<9x128xi32, #tpu.memory_space<vmem>> -> memref<1x128xi32, #tpu.memory_space<vmem>>
    %dma_start3A_35 = tpu.memref_squeeze %dma_start3A_34 : memref<1x128xi32, #tpu.memory_space<vmem>> -> memref<128xi32, #tpu.memory_space<vmem>>
    %dma_start3A_36 = arith.constant 0 : i32
    %dma_start3A_37 = tpu.memref_slice %arg3[%select_n3A, %select_n3A_32, %dma_start3A_36] : memref<32x9x128xi32, #tpu.memory_space<hbm>> -> memref<1x1x128xi32, #tpu.memory_space<hbm>>
    %dma_start3A_38 = tpu.memref_squeeze %dma_start3A_37 : memref<1x1x128xi32, #tpu.memory_space<hbm>> -> memref<128xi32, #tpu.memory_space<hbm>>
    %dma_start3A_39 = arith.constant 0 : i32
    %dma_start3A_40 = tpu.memref_slice %arg5[%dma_start3A, %dma_start3A_39] : memref<9x128xi32, #tpu.memory_space<vmem>> -> memref<1x128xi32, #tpu.memory_space<vmem>>
    %dma_start3A_41 = tpu.memref_squeeze %dma_start3A_40 : memref<1x128xi32, #tpu.memory_space<vmem>> -> memref<128xi32, #tpu.memory_space<vmem>>
    %dma_start3A_42 = arith.constant 0 : i32
    %dma_start3A_43 = tpu.memref_slice %arg3[%select_n3A, %select_n3A_32, %dma_start3A_42] : memref<32x9x128xi32, #tpu.memory_space<hbm>> -> memref<1x1x128xi32, #tpu.memory_space<hbm>>
    %dma_start3A_44 = tpu.memref_squeeze %dma_start3A_43 : memref<1x1x128xi32, #tpu.memory_space<hbm>> -> memref<128xi32, #tpu.memory_space<hbm>>
    tpu.enqueue_dma source(%dma_start3A_44 : memref<128xi32, #tpu.memory_space<hbm>>) target(%dma_start3A_41 : memref<128xi32, #tpu.memory_space<vmem>>) target_semaphore(%arg7 : memref<!tpu.dma_semaphore, #tpu.memory_space<semaphore_mem>>)
    %add3A_45 = arith.constant 32 : i32
    %add3A_46 = arith.addi %add3A, %add3A_45 : i32
    %jit3A_47 = arith.constant 9 : i32
    %div3A_48 = arith.divsi %add3A_46, %jit3A_47 : i32
    %sign3A_49 = arith.constant 0 : i32
    %sign3A_50 = arith.cmpi sgt, %add3A_46, %sign3A_49 : i32
    %sign3A_51 = arith.extui %sign3A_50 : i1 to i32
    %sign3A_52 = arith.constant 0 : i32
    %sign3A_53 = arith.cmpi slt, %add3A_46, %sign3A_52 : i32
    %sign3A_54 = arith.extui %sign3A_53 : i1 to i32
    %sign3A_55 = arith.subi %sign3A_51, %sign3A_54 : i32
    %sign3A_56 = arith.constant 0 : i32
    %sign3A_57 = arith.cmpi sgt, %jit3A_47, %sign3A_56 : i32
    %sign3A_58 = arith.extui %sign3A_57 : i1 to i32
    %sign3A_59 = arith.constant 0 : i32
    %sign3A_60 = arith.cmpi slt, %jit3A_47, %sign3A_59 : i32
    %sign3A_61 = arith.extui %sign3A_60 : i1 to i32
    %sign3A_62 = arith.subi %sign3A_58, %sign3A_61 : i32
    %ne3A_63 = arith.cmpi ne, %sign3A_55, %sign3A_62 : i32
    %rem3A_64 = arith.remsi %add3A_46, %jit3A_47 : i32
    %ne3A_65 = arith.constant 0 : i32
    %ne3A_66 = arith.cmpi ne, %rem3A_64, %ne3A_65 : i32
    %and3A_67 = arith.andi %ne3A_63, %ne3A_66 : i1
    %sub3A_68 = arith.constant 1 : i32
    %sub3A_69 = arith.subi %div3A_48, %sub3A_68 : i32
    %select_n3A_70 = arith.select %and3A_67, %sub3A_69, %div3A_48 : i32
    %jit3A_71 = arith.constant 9 : i32
    %eq3A_72 = arith.constant 0 : i32
    %eq3A_73 = arith.cmpi eq, %jit3A_71, %eq3A_72 : i32
    %jit3A_74 = arith.constant 1 : i32
    %select_n3A_75 = arith.select %eq3A_73, %jit3A_74, %jit3A_71 : i32
    %rem3A_76 = arith.remsi %add3A_46, %select_n3A_75 : i32
    %ne3A_77 = arith.constant 0 : i32
    %ne3A_78 = arith.cmpi ne, %rem3A_76, %ne3A_77 : i32
    %lt3A_79 = arith.constant 0 : i32
    %lt3A_80 = arith.cmpi slt, %rem3A_76, %lt3A_79 : i32
    %lt3A_81 = arith.constant 0 : i32
    %lt3A_82 = arith.cmpi slt, %select_n3A_75, %lt3A_81 : i32
    %ne3A_83 = arith.xori %lt3A_80, %lt3A_82 : i1
    %and3A_84 = arith.andi %ne3A_83, %ne3A_78 : i1
    %add3A_85 = arith.addi %rem3A_76, %select_n3A_75 : i32
    %select_n3A_86 = arith.select %and3A_84, %add3A_85, %rem3A_76 : i32
    %dma_start3A_87 = arith.constant 1 : i32
    %dma_start3A_88 = arith.constant 0 : i32
    %dma_start3A_89 = tpu.memref_slice %arg5[%dma_start3A_87, %dma_start3A_88] : memref<9x128xi32, #tpu.memory_space<vmem>> -> memref<1x128xi32, #tpu.memory_space<vmem>>
    %dma_start3A_90 = tpu.memref_squeeze %dma_start3A_89 : memref<1x128xi32, #tpu.memory_space<vmem>> -> memref<128xi32, #tpu.memory_space<vmem>>
    %dma_start3A_91 = arith.constant 0 : i32
    %dma_start3A_92 = tpu.memref_slice %arg3[%select_n3A_70, %select_n3A_86, %dma_start3A_91] : memref<32x9x128xi32, #tpu.memory_space<hbm>> -> memref<1x1x128xi32, #tpu.memory_space<hbm>>
    %dma_start3A_93 = tpu.memref_squeeze %dma_start3A_92 : memref<1x1x128xi32, #tpu.memory_space<hbm>> -> memref<128xi32, #tpu.memory_space<hbm>>
    %dma_start3A_94 = arith.constant 0 : i32
    %dma_start3A_95 = tpu.memref_slice %arg5[%dma_start3A_87, %dma_start3A_94] : memref<9x128xi32, #tpu.memory_space<vmem>> -> memref<1x128xi32, #tpu.memory_space<vmem>>
    %dma_start3A_96 = tpu.memref_squeeze %dma_start3A_95 : memref<1x128xi32, #tpu.memory_space<vmem>> -> memref<128xi32, #tpu.memory_space<vmem>>
    %dma_start3A_97 = arith.constant 0 : i32
    %dma_start3A_98 = tpu.memref_slice %arg3[%select_n3A_70, %select_n3A_86, %dma_start3A_97] : memref<32x9x128xi32, #tpu.memory_space<hbm>> -> memref<1x1x128xi32, #tpu.memory_space<hbm>>
    %dma_start3A_99 = tpu.memref_squeeze %dma_start3A_98 : memref<1x1x128xi32, #tpu.memory_space<hbm>> -> memref<128xi32, #tpu.memory_space<hbm>>
    tpu.enqueue_dma source(%dma_start3A_99 : memref<128xi32, #tpu.memory_space<hbm>>) target(%dma_start3A_96 : memref<128xi32, #tpu.memory_space<vmem>>) target_semaphore(%arg7 : memref<!tpu.dma_semaphore, #tpu.memory_space<semaphore_mem>>)
    %add3A_100 = arith.constant 64 : i32
    %add3A_101 = arith.addi %add3A, %add3A_100 : i32
    %jit3A_102 = arith.constant 9 : i32
    %div3A_103 = arith.divsi %add3A_101, %jit3A_102 : i32
    %sign3A_104 = arith.constant 0 : i32
    %sign3A_105 = arith.cmpi sgt, %add3A_101, %sign3A_104 : i32
    %sign3A_106 = arith.extui %sign3A_105 : i1 to i32
    %sign3A_107 = arith.constant 0 : i32
    %sign3A_108 = arith.cmpi slt, %add3A_101, %sign3A_107 : i32
    %sign3A_109 = arith.extui %sign3A_108 : i1 to i32
    %sign3A_110 = arith.subi %sign3A_106, %sign3A_109 : i32
    %sign3A_111 = arith.constant 0 : i32
    %sign3A_112 = arith.cmpi sgt, %jit3A_102, %sign3A_111 : i32
    %sign3A_113 = arith.extui %sign3A_112 : i1 to i32
    %sign3A_114 = arith.constant 0 : i32
    %sign3A_115 = arith.cmpi slt, %jit3A_102, %sign3A_114 : i32
    %sign3A_116 = arith.extui %sign3A_115 : i1 to i32
    %sign3A_117 = arith.subi %sign3A_113, %sign3A_116 : i32
    %ne3A_118 = arith.cmpi ne, %sign3A_110, %sign3A_117 : i32
    %rem3A_119 = arith.remsi %add3A_101, %jit3A_102 : i32
    %ne3A_120 = arith.constant 0 : i32
    %ne3A_121 = arith.cmpi ne, %rem3A_119, %ne3A_120 : i32
    %and3A_122 = arith.andi %ne3A_118, %ne3A_121 : i1
    %sub3A_123 = arith.constant 1 : i32
    %sub3A_124 = arith.subi %div3A_103, %sub3A_123 : i32
    %select_n3A_125 = arith.select %and3A_122, %sub3A_124, %div3A_103 : i32
    %jit3A_126 = arith.constant 9 : i32
    %eq3A_127 = arith.constant 0 : i32
    %eq3A_128 = arith.cmpi eq, %jit3A_126, %eq3A_127 : i32
    %jit3A_129 = arith.constant 1 : i32
    %select_n3A_130 = arith.select %eq3A_128, %jit3A_129, %jit3A_126 : i32
    %rem3A_131 = arith.remsi %add3A_101, %select_n3A_130 : i32
    %ne3A_132 = arith.constant 0 : i32
    %ne3A_133 = arith.cmpi ne, %rem3A_131, %ne3A_132 : i32
    %lt3A_134 = arith.constant 0 : i32
    %lt3A_135 = arith.cmpi slt, %rem3A_131, %lt3A_134 : i32
    %lt3A_136 = arith.constant 0 : i32
    %lt3A_137 = arith.cmpi slt, %select_n3A_130, %lt3A_136 : i32
    %ne3A_138 = arith.xori %lt3A_135, %lt3A_137 : i1
    %and3A_139 = arith.andi %ne3A_138, %ne3A_133 : i1
    %add3A_140 = arith.addi %rem3A_131, %select_n3A_130 : i32
    %select_n3A_141 = arith.select %and3A_139, %add3A_140, %rem3A_131 : i32
    %dma_start3A_142 = arith.constant 2 : i32
    %dma_start3A_143 = arith.constant 0 : i32
    %dma_start3A_144 = tpu.memref_slice %arg5[%dma_start3A_142, %dma_start3A_143] : memref<9x128xi32, #tpu.memory_space<vmem>> -> memref<1x128xi32, #tpu.memory_space<vmem>>
    %dma_start3A_145 = tpu.memref_squeeze %dma_start3A_144 : memref<1x128xi32, #tpu.memory_space<vmem>> -> memref<128xi32, #tpu.memory_space<vmem>>
    %dma_start3A_146 = arith.constant 0 : i32
    %dma_start3A_147 = tpu.memref_slice %arg3[%select_n3A_125, %select_n3A_141, %dma_start3A_146] : memref<32x9x128xi32, #tpu.memory_space<hbm>> -> memref<1x1x128xi32, #tpu.memory_space<hbm>>
    %dma_start3A_148 = tpu.memref_squeeze %dma_start3A_147 : memref<1x1x128xi32, #tpu.memory_space<hbm>> -> memref<128xi32, #tpu.memory_space<hbm>>
    %dma_start3A_149 = arith.constant 0 : i32
    %dma_start3A_150 = tpu.memref_slice %arg5[%dma_start3A_142, %dma_start3A_149] : memref<9x128xi32, #tpu.memory_space<vmem>> -> memref<1x128xi32, #tpu.memory_space<vmem>>
    %dma_start3A_151 = tpu.memref_squeeze %dma_start3A_150 : memref<1x128xi32, #tpu.memory_space<vmem>> -> memref<128xi32, #tpu.memory_space<vmem>>
    %dma_start3A_152 = arith.constant 0 : i32
    %dma_start3A_153 = tpu.memref_slice %arg3[%select_n3A_125, %select_n3A_141, %dma_start3A_152] : memref<32x9x128xi32, #tpu.memory_space<hbm>> -> memref<1x1x128xi32, #tpu.memory_space<hbm>>
    %dma_start3A_154 = tpu.memref_squeeze %dma_start3A_153 : memref<1x1x128xi32, #tpu.memory_space<hbm>> -> memref<128xi32, #tpu.memory_space<hbm>>
    tpu.enqueue_dma source(%dma_start3A_154 : memref<128xi32, #tpu.memory_space<hbm>>) target(%dma_start3A_151 : memref<128xi32, #tpu.memory_space<vmem>>) target_semaphore(%arg7 : memref<!tpu.dma_semaphore, #tpu.memory_space<semaphore_mem>>)
    %add3A_155 = arith.constant 96 : i32
    %add3A_156 = arith.addi %add3A, %add3A_155 : i32
    %jit3A_157 = arith.constant 9 : i32
    %div3A_158 = arith.divsi %add3A_156, %jit3A_157 : i32
    %sign3A_159 = arith.constant 0 : i32
    %sign3A_160 = arith.cmpi sgt, %add3A_156, %sign3A_159 : i32
    %sign3A_161 = arith.extui %sign3A_160 : i1 to i32
    %sign3A_162 = arith.constant 0 : i32
    %sign3A_163 = arith.cmpi slt, %add3A_156, %sign3A_162 : i32
    %sign3A_164 = arith.extui %sign3A_163 : i1 to i32
    %sign3A_165 = arith.subi %sign3A_161, %sign3A_164 : i32
    %sign3A_166 = arith.constant 0 : i32
    %sign3A_167 = arith.cmpi sgt, %jit3A_157, %sign3A_166 : i32
    %sign3A_168 = arith.extui %sign3A_167 : i1 to i32
    %sign3A_169 = arith.constant 0 : i32
    %sign3A_170 = arith.cmpi slt, %jit3A_157, %sign3A_169 : i32
    %sign3A_171 = arith.extui %sign3A_170 : i1 to i32
    %sign3A_172 = arith.subi %sign3A_168, %sign3A_171 : i32
    %ne3A_173 = arith.cmpi ne, %sign3A_165, %sign3A_172 : i32
    %rem3A_174 = arith.remsi %add3A_156, %jit3A_157 : i32
    %ne3A_175 = arith.constant 0 : i32
    %ne3A_176 = arith.cmpi ne, %rem3A_174, %ne3A_175 : i32
    %and3A_177 = arith.andi %ne3A_173, %ne3A_176 : i1
    %sub3A_178 = arith.constant 1 : i32
    %sub3A_179 = arith.subi %div3A_158, %sub3A_178 : i32
    %select_n3A_180 = arith.select %and3A_177, %sub3A_179, %div3A_158 : i32
    %jit3A_181 = arith.constant 9 : i32
    %eq3A_182 = arith.constant 0 : i32
    %eq3A_183 = arith.cmpi eq, %jit3A_181, %eq3A_182 : i32
    %jit3A_184 = arith.constant 1 : i32
    %select_n3A_185 = arith.select %eq3A_183, %jit3A_184, %jit3A_181 : i32
    %rem3A_186 = arith.remsi %add3A_156, %select_n3A_185 : i32
    %ne3A_187 = arith.constant 0 : i32
    %ne3A_188 = arith.cmpi ne, %rem3A_186, %ne3A_187 : i32
    %lt3A_189 = arith.constant 0 : i32
    %lt3A_190 = arith.cmpi slt, %rem3A_186, %lt3A_189 : i32
    %lt3A_191 = arith.constant 0 : i32
    %lt3A_192 = arith.cmpi slt, %select_n3A_185, %lt3A_191 : i32
    %ne3A_193 = arith.xori %lt3A_190, %lt3A_192 : i1
    %and3A_194 = arith.andi %ne3A_193, %ne3A_188 : i1
    %add3A_195 = arith.addi %rem3A_186, %select_n3A_185 : i32
    %select_n3A_196 = arith.select %and3A_194, %add3A_195, %rem3A_186 : i32
    %dma_start3A_197 = arith.constant 3 : i32
    %dma_start3A_198 = arith.constant 0 : i32
    %dma_start3A_199 = tpu.memref_slice %arg5[%dma_start3A_197, %dma_start3A_198] : memref<9x128xi32, #tpu.memory_space<vmem>> -> memref<1x128xi32, #tpu.memory_space<vmem>>
    %dma_start3A_200 = tpu.memref_squeeze %dma_start3A_199 : memref<1x128xi32, #tpu.memory_space<vmem>> -> memref<128xi32, #tpu.memory_space<vmem>>
    %dma_start3A_201 = arith.constant 0 : i32
    %dma_start3A_202 = tpu.memref_slice %arg3[%select_n3A_180, %select_n3A_196, %dma_start3A_201] : memref<32x9x128xi32, #tpu.memory_space<hbm>> -> memref<1x1x128xi32, #tpu.memory_space<hbm>>
    %dma_start3A_203 = tpu.memref_squeeze %dma_start3A_202 : memref<1x1x128xi32, #tpu.memory_space<hbm>> -> memref<128xi32, #tpu.memory_space<hbm>>
    %dma_start3A_204 = arith.constant 0 : i32
    %dma_start3A_205 = tpu.memref_slice %arg5[%dma_start3A_197, %dma_start3A_204] : memref<9x128xi32, #tpu.memory_space<vmem>> -> memref<1x128xi32, #tpu.memory_space<vmem>>
    %dma_start3A_206 = tpu.memref_squeeze %dma_start3A_205 : memref<1x128xi32, #tpu.memory_space<vmem>> -> memref<128xi32, #tpu.memory_space<vmem>>
    %dma_start3A_207 = arith.constant 0 : i32
    %dma_start3A_208 = tpu.memref_slice %arg3[%select_n3A_180, %select_n3A_196, %dma_start3A_207] : memref<32x9x128xi32, #tpu.memory_space<hbm>> -> memref<1x1x128xi32, #tpu.memory_space<hbm>>
    %dma_start3A_209 = tpu.memref_squeeze %dma_start3A_208 : memref<1x1x128xi32, #tpu.memory_space<hbm>> -> memref<128xi32, #tpu.memory_space<hbm>>
    tpu.enqueue_dma source(%dma_start3A_209 : memref<128xi32, #tpu.memory_space<hbm>>) target(%dma_start3A_206 : memref<128xi32, #tpu.memory_space<vmem>>) target_semaphore(%arg7 : memref<!tpu.dma_semaphore, #tpu.memory_space<semaphore_mem>>)
    %add3A_210 = arith.constant 128 : i32
    %add3A_211 = arith.addi %add3A, %add3A_210 : i32
    %jit3A_212 = arith.constant 9 : i32
    %div3A_213 = arith.divsi %add3A_211, %jit3A_212 : i32
    %sign3A_214 = arith.constant 0 : i32
    %sign3A_215 = arith.cmpi sgt, %add3A_211, %sign3A_214 : i32
    %sign3A_216 = arith.extui %sign3A_215 : i1 to i32
    %sign3A_217 = arith.constant 0 : i32
    %sign3A_218 = arith.cmpi slt, %add3A_211, %sign3A_217 : i32
    %sign3A_219 = arith.extui %sign3A_218 : i1 to i32
    %sign3A_220 = arith.subi %sign3A_216, %sign3A_219 : i32
    %sign3A_221 = arith.constant 0 : i32
    %sign3A_222 = arith.cmpi sgt, %jit3A_212, %sign3A_221 : i32
    %sign3A_223 = arith.extui %sign3A_222 : i1 to i32
    %sign3A_224 = arith.constant 0 : i32
    %sign3A_225 = arith.cmpi slt, %jit3A_212, %sign3A_224 : i32
    %sign3A_226 = arith.extui %sign3A_225 : i1 to i32
    %sign3A_227 = arith.subi %sign3A_223, %sign3A_226 : i32
    %ne3A_228 = arith.cmpi ne, %sign3A_220, %sign3A_227 : i32
    %rem3A_229 = arith.remsi %add3A_211, %jit3A_212 : i32
    %ne3A_230 = arith.constant 0 : i32
    %ne3A_231 = arith.cmpi ne, %rem3A_229, %ne3A_230 : i32
    %and3A_232 = arith.andi %ne3A_228, %ne3A_231 : i1
    %sub3A_233 = arith.constant 1 : i32
    %sub3A_234 = arith.subi %div3A_213, %sub3A_233 : i32
    %select_n3A_235 = arith.select %and3A_232, %sub3A_234, %div3A_213 : i32
    %jit3A_236 = arith.constant 9 : i32
    %eq3A_237 = arith.constant 0 : i32
    %eq3A_238 = arith.cmpi eq, %jit3A_236, %eq3A_237 : i32
    %jit3A_239 = arith.constant 1 : i32
    %select_n3A_240 = arith.select %eq3A_238, %jit3A_239, %jit3A_236 : i32
    %rem3A_241 = arith.remsi %add3A_211, %select_n3A_240 : i32
    %ne3A_242 = arith.constant 0 : i32
    %ne3A_243 = arith.cmpi ne, %rem3A_241, %ne3A_242 : i32
    %lt3A_244 = arith.constant 0 : i32
    %lt3A_245 = arith.cmpi slt, %rem3A_241, %lt3A_244 : i32
    %lt3A_246 = arith.constant 0 : i32
    %lt3A_247 = arith.cmpi slt, %select_n3A_240, %lt3A_246 : i32
    %ne3A_248 = arith.xori %lt3A_245, %lt3A_247 : i1
    %and3A_249 = arith.andi %ne3A_248, %ne3A_243 : i1
    %add3A_250 = arith.addi %rem3A_241, %select_n3A_240 : i32
    %select_n3A_251 = arith.select %and3A_249, %add3A_250, %rem3A_241 : i32
    %dma_start3A_252 = arith.constant 4 : i32
    %dma_start3A_253 = arith.constant 0 : i32
    %dma_start3A_254 = tpu.memref_slice %arg5[%dma_start3A_252, %dma_start3A_253] : memref<9x128xi32, #tpu.memory_space<vmem>> -> memref<1x128xi32, #tpu.memory_space<vmem>>
    %dma_start3A_255 = tpu.memref_squeeze %dma_start3A_254 : memref<1x128xi32, #tpu.memory_space<vmem>> -> memref<128xi32, #tpu.memory_space<vmem>>
    %dma_start3A_256 = arith.constant 0 : i32
    %dma_start3A_257 = tpu.memref_slice %arg3[%select_n3A_235, %select_n3A_251, %dma_start3A_256] : memref<32x9x128xi32, #tpu.memory_space<hbm>> -> memref<1x1x128xi32, #tpu.memory_space<hbm>>
    %dma_start3A_258 = tpu.memref_squeeze %dma_start3A_257 : memref<1x1x128xi32, #tpu.memory_space<hbm>> -> memref<128xi32, #tpu.memory_space<hbm>>
    %dma_start3A_259 = arith.constant 0 : i32
    %dma_start3A_260 = tpu.memref_slice %arg5[%dma_start3A_252, %dma_start3A_259] : memref<9x128xi32, #tpu.memory_space<vmem>> -> memref<1x128xi32, #tpu.memory_space<vmem>>
    %dma_start3A_261 = tpu.memref_squeeze %dma_start3A_260 : memref<1x128xi32, #tpu.memory_space<vmem>> -> memref<128xi32, #tpu.memory_space<vmem>>
    %dma_start3A_262 = arith.constant 0 : i32
    %dma_start3A_263 = tpu.memref_slice %arg3[%select_n3A_235, %select_n3A_251, %dma_start3A_262] : memref<32x9x128xi32, #tpu.memory_space<hbm>> -> memref<1x1x128xi32, #tpu.memory_space<hbm>>
    %dma_start3A_264 = tpu.memref_squeeze %dma_start3A_263 : memref<1x1x128xi32, #tpu.memory_space<hbm>> -> memref<128xi32, #tpu.memory_space<hbm>>
    tpu.enqueue_dma source(%dma_start3A_264 : memref<128xi32, #tpu.memory_space<hbm>>) target(%dma_start3A_261 : memref<128xi32, #tpu.memory_space<vmem>>) target_semaphore(%arg7 : memref<!tpu.dma_semaphore, #tpu.memory_space<semaphore_mem>>)
    %add3A_265 = arith.constant 160 : i32
    %add3A_266 = arith.addi %add3A, %add3A_265 : i32
    %jit3A_267 = arith.constant 9 : i32
    %div3A_268 = arith.divsi %add3A_266, %jit3A_267 : i32
    %sign3A_269 = arith.constant 0 : i32
    %sign3A_270 = arith.cmpi sgt, %add3A_266, %sign3A_269 : i32
    %sign3A_271 = arith.extui %sign3A_270 : i1 to i32
    %sign3A_272 = arith.constant 0 : i32
    %sign3A_273 = arith.cmpi slt, %add3A_266, %sign3A_272 : i32
    %sign3A_274 = arith.extui %sign3A_273 : i1 to i32
    %sign3A_275 = arith.subi %sign3A_271, %sign3A_274 : i32
    %sign3A_276 = arith.constant 0 : i32
    %sign3A_277 = arith.cmpi sgt, %jit3A_267, %sign3A_276 : i32
    %sign3A_278 = arith.extui %sign3A_277 : i1 to i32
    %sign3A_279 = arith.constant 0 : i32
    %sign3A_280 = arith.cmpi slt, %jit3A_267, %sign3A_279 : i32
    %sign3A_281 = arith.extui %sign3A_280 : i1 to i32
    %sign3A_282 = arith.subi %sign3A_278, %sign3A_281 : i32
    %ne3A_283 = arith.cmpi ne, %sign3A_275, %sign3A_282 : i32
    %rem3A_284 = arith.remsi %add3A_266, %jit3A_267 : i32
    %ne3A_285 = arith.constant 0 : i32
    %ne3A_286 = arith.cmpi ne, %rem3A_284, %ne3A_285 : i32
    %and3A_287 = arith.andi %ne3A_283, %ne3A_286 : i1
    %sub3A_288 = arith.constant 1 : i32
    %sub3A_289 = arith.subi %div3A_268, %sub3A_288 : i32
    %select_n3A_290 = arith.select %and3A_287, %sub3A_289, %div3A_268 : i32
    %jit3A_291 = arith.constant 9 : i32
    %eq3A_292 = arith.constant 0 : i32
    %eq3A_293 = arith.cmpi eq, %jit3A_291, %eq3A_292 : i32
    %jit3A_294 = arith.constant 1 : i32
    %select_n3A_295 = arith.select %eq3A_293, %jit3A_294, %jit3A_291 : i32
    %rem3A_296 = arith.remsi %add3A_266, %select_n3A_295 : i32
    %ne3A_297 = arith.constant 0 : i32
    %ne3A_298 = arith.cmpi ne, %rem3A_296, %ne3A_297 : i32
    %lt3A_299 = arith.constant 0 : i32
    %lt3A_300 = arith.cmpi slt, %rem3A_296, %lt3A_299 : i32
    %lt3A_301 = arith.constant 0 : i32
    %lt3A_302 = arith.cmpi slt, %select_n3A_295, %lt3A_301 : i32
    %ne3A_303 = arith.xori %lt3A_300, %lt3A_302 : i1
    %and3A_304 = arith.andi %ne3A_303, %ne3A_298 : i1
    %add3A_305 = arith.addi %rem3A_296, %select_n3A_295 : i32
    %select_n3A_306 = arith.select %and3A_304, %add3A_305, %rem3A_296 : i32
    %dma_start3A_307 = arith.constant 5 : i32
    %dma_start3A_308 = arith.constant 0 : i32
    %dma_start3A_309 = tpu.memref_slice %arg5[%dma_start3A_307, %dma_start3A_308] : memref<9x128xi32, #tpu.memory_space<vmem>> -> memref<1x128xi32, #tpu.memory_space<vmem>>
    %dma_start3A_310 = tpu.memref_squeeze %dma_start3A_309 : memref<1x128xi32, #tpu.memory_space<vmem>> -> memref<128xi32, #tpu.memory_space<vmem>>
    %dma_start3A_311 = arith.constant 0 : i32
    %dma_start3A_312 = tpu.memref_slice %arg3[%select_n3A_290, %select_n3A_306, %dma_start3A_311] : memref<32x9x128xi32, #tpu.memory_space<hbm>> -> memref<1x1x128xi32, #tpu.memory_space<hbm>>
    %dma_start3A_313 = tpu.memref_squeeze %dma_start3A_312 : memref<1x1x128xi32, #tpu.memory_space<hbm>> -> memref<128xi32, #tpu.memory_space<hbm>>
    %dma_start3A_314 = arith.constant 0 : i32
    %dma_start3A_315 = tpu.memref_slice %arg5[%dma_start3A_307, %dma_start3A_314] : memref<9x128xi32, #tpu.memory_space<vmem>> -> memref<1x128xi32, #tpu.memory_space<vmem>>
    %dma_start3A_316 = tpu.memref_squeeze %dma_start3A_315 : memref<1x128xi32, #tpu.memory_space<vmem>> -> memref<128xi32, #tpu.memory_space<vmem>>
    %dma_start3A_317 = arith.constant 0 : i32
    %dma_start3A_318 = tpu.memref_slice %arg3[%select_n3A_290, %select_n3A_306, %dma_start3A_317] : memref<32x9x128xi32, #tpu.memory_space<hbm>> -> memref<1x1x128xi32, #tpu.memory_space<hbm>>
    %dma_start3A_319 = tpu.memref_squeeze %dma_start3A_318 : memref<1x1x128xi32, #tpu.memory_space<hbm>> -> memref<128xi32, #tpu.memory_space<hbm>>
    tpu.enqueue_dma source(%dma_start3A_319 : memref<128xi32, #tpu.memory_space<hbm>>) target(%dma_start3A_316 : memref<128xi32, #tpu.memory_space<vmem>>) target_semaphore(%arg7 : memref<!tpu.dma_semaphore, #tpu.memory_space<semaphore_mem>>)
    %add3A_320 = arith.constant 192 : i32
    %add3A_321 = arith.addi %add3A, %add3A_320 : i32
    %jit3A_322 = arith.constant 9 : i32
    %div3A_323 = arith.divsi %add3A_321, %jit3A_322 : i32
    %sign3A_324 = arith.constant 0 : i32
    %sign3A_325 = arith.cmpi sgt, %add3A_321, %sign3A_324 : i32
    %sign3A_326 = arith.extui %sign3A_325 : i1 to i32
    %sign3A_327 = arith.constant 0 : i32
    %sign3A_328 = arith.cmpi slt, %add3A_321, %sign3A_327 : i32
    %sign3A_329 = arith.extui %sign3A_328 : i1 to i32
    %sign3A_330 = arith.subi %sign3A_326, %sign3A_329 : i32
    %sign3A_331 = arith.constant 0 : i32
    %sign3A_332 = arith.cmpi sgt, %jit3A_322, %sign3A_331 : i32
    %sign3A_333 = arith.extui %sign3A_332 : i1 to i32
    %sign3A_334 = arith.constant 0 : i32
    %sign3A_335 = arith.cmpi slt, %jit3A_322, %sign3A_334 : i32
    %sign3A_336 = arith.extui %sign3A_335 : i1 to i32
    %sign3A_337 = arith.subi %sign3A_333, %sign3A_336 : i32
    %ne3A_338 = arith.cmpi ne, %sign3A_330, %sign3A_337 : i32
    %rem3A_339 = arith.remsi %add3A_321, %jit3A_322 : i32
    %ne3A_340 = arith.constant 0 : i32
    %ne3A_341 = arith.cmpi ne, %rem3A_339, %ne3A_340 : i32
    %and3A_342 = arith.andi %ne3A_338, %ne3A_341 : i1
    %sub3A_343 = arith.constant 1 : i32
    %sub3A_344 = arith.subi %div3A_323, %sub3A_343 : i32
    %select_n3A_345 = arith.select %and3A_342, %sub3A_344, %div3A_323 : i32
    %jit3A_346 = arith.constant 9 : i32
    %eq3A_347 = arith.constant 0 : i32
    %eq3A_348 = arith.cmpi eq, %jit3A_346, %eq3A_347 : i32
    %jit3A_349 = arith.constant 1 : i32
    %select_n3A_350 = arith.select %eq3A_348, %jit3A_349, %jit3A_346 : i32
    %rem3A_351 = arith.remsi %add3A_321, %select_n3A_350 : i32
    %ne3A_352 = arith.constant 0 : i32
    %ne3A_353 = arith.cmpi ne, %rem3A_351, %ne3A_352 : i32
    %lt3A_354 = arith.constant 0 : i32
    %lt3A_355 = arith.cmpi slt, %rem3A_351, %lt3A_354 : i32
    %lt3A_356 = arith.constant 0 : i32
    %lt3A_357 = arith.cmpi slt, %select_n3A_350, %lt3A_356 : i32
    %ne3A_358 = arith.xori %lt3A_355, %lt3A_357 : i1
    %and3A_359 = arith.andi %ne3A_358, %ne3A_353 : i1
    %add3A_360 = arith.addi %rem3A_351, %select_n3A_350 : i32
    %select_n3A_361 = arith.select %and3A_359, %add3A_360, %rem3A_351 : i32
    %dma_start3A_362 = arith.constant 6 : i32
    %dma_start3A_363 = arith.constant 0 : i32
    %dma_start3A_364 = tpu.memref_slice %arg5[%dma_start3A_362, %dma_start3A_363] : memref<9x128xi32, #tpu.memory_space<vmem>> -> memref<1x128xi32, #tpu.memory_space<vmem>>
    %dma_start3A_365 = tpu.memref_squeeze %dma_start3A_364 : memref<1x128xi32, #tpu.memory_space<vmem>> -> memref<128xi32, #tpu.memory_space<vmem>>
    %dma_start3A_366 = arith.constant 0 : i32
    %dma_start3A_367 = tpu.memref_slice %arg3[%select_n3A_345, %select_n3A_361, %dma_start3A_366] : memref<32x9x128xi32, #tpu.memory_space<hbm>> -> memref<1x1x128xi32, #tpu.memory_space<hbm>>
    %dma_start3A_368 = tpu.memref_squeeze %dma_start3A_367 : memref<1x1x128xi32, #tpu.memory_space<hbm>> -> memref<128xi32, #tpu.memory_space<hbm>>
    %dma_start3A_369 = arith.constant 0 : i32
    %dma_start3A_370 = tpu.memref_slice %arg5[%dma_start3A_362, %dma_start3A_369] : memref<9x128xi32, #tpu.memory_space<vmem>> -> memref<1x128xi32, #tpu.memory_space<vmem>>
    %dma_start3A_371 = tpu.memref_squeeze %dma_start3A_370 : memref<1x128xi32, #tpu.memory_space<vmem>> -> memref<128xi32, #tpu.memory_space<vmem>>
    %dma_start3A_372 = arith.constant 0 : i32
    %dma_start3A_373 = tpu.memref_slice %arg3[%select_n3A_345, %select_n3A_361, %dma_start3A_372] : memref<32x9x128xi32, #tpu.memory_space<hbm>> -> memref<1x1x128xi32, #tpu.memory_space<hbm>>
    %dma_start3A_374 = tpu.memref_squeeze %dma_start3A_373 : memref<1x1x128xi32, #tpu.memory_space<hbm>> -> memref<128xi32, #tpu.memory_space<hbm>>
    tpu.enqueue_dma source(%dma_start3A_374 : memref<128xi32, #tpu.memory_space<hbm>>) target(%dma_start3A_371 : memref<128xi32, #tpu.memory_space<vmem>>) target_semaphore(%arg7 : memref<!tpu.dma_semaphore, #tpu.memory_space<semaphore_mem>>)
    %add3A_375 = arith.constant 224 : i32
    %add3A_376 = arith.addi %add3A, %add3A_375 : i32
    %jit3A_377 = arith.constant 9 : i32
    %div3A_378 = arith.divsi %add3A_376, %jit3A_377 : i32
    %sign3A_379 = arith.constant 0 : i32
    %sign3A_380 = arith.cmpi sgt, %add3A_376, %sign3A_379 : i32
    %sign3A_381 = arith.extui %sign3A_380 : i1 to i32
    %sign3A_382 = arith.constant 0 : i32
    %sign3A_383 = arith.cmpi slt, %add3A_376, %sign3A_382 : i32
    %sign3A_384 = arith.extui %sign3A_383 : i1 to i32
    %sign3A_385 = arith.subi %sign3A_381, %sign3A_384 : i32
    %sign3A_386 = arith.constant 0 : i32
    %sign3A_387 = arith.cmpi sgt, %jit3A_377, %sign3A_386 : i32
    %sign3A_388 = arith.extui %sign3A_387 : i1 to i32
    %sign3A_389 = arith.constant 0 : i32
    %sign3A_390 = arith.cmpi slt, %jit3A_377, %sign3A_389 : i32
    %sign3A_391 = arith.extui %sign3A_390 : i1 to i32
    %sign3A_392 = arith.subi %sign3A_388, %sign3A_391 : i32
    %ne3A_393 = arith.cmpi ne, %sign3A_385, %sign3A_392 : i32
    %rem3A_394 = arith.remsi %add3A_376, %jit3A_377 : i32
    %ne3A_395 = arith.constant 0 : i32
    %ne3A_396 = arith.cmpi ne, %rem3A_394, %ne3A_395 : i32
    %and3A_397 = arith.andi %ne3A_393, %ne3A_396 : i1
    %sub3A_398 = arith.constant 1 : i32
    %sub3A_399 = arith.subi %div3A_378, %sub3A_398 : i32
    %select_n3A_400 = arith.select %and3A_397, %sub3A_399, %div3A_378 : i32
    %jit3A_401 = arith.constant 9 : i32
    %eq3A_402 = arith.constant 0 : i32
    %eq3A_403 = arith.cmpi eq, %jit3A_401, %eq3A_402 : i32
    %jit3A_404 = arith.constant 1 : i32
    %select_n3A_405 = arith.select %eq3A_403, %jit3A_404, %jit3A_401 : i32
    %rem3A_406 = arith.remsi %add3A_376, %select_n3A_405 : i32
    %ne3A_407 = arith.constant 0 : i32
    %ne3A_408 = arith.cmpi ne, %rem3A_406, %ne3A_407 : i32
    %lt3A_409 = arith.constant 0 : i32
    %lt3A_410 = arith.cmpi slt, %rem3A_406, %lt3A_409 : i32
    %lt3A_411 = arith.constant 0 : i32
    %lt3A_412 = arith.cmpi slt, %select_n3A_405, %lt3A_411 : i32
    %ne3A_413 = arith.xori %lt3A_410, %lt3A_412 : i1
    %and3A_414 = arith.andi %ne3A_413, %ne3A_408 : i1
    %add3A_415 = arith.addi %rem3A_406, %select_n3A_405 : i32
    %select_n3A_416 = arith.select %and3A_414, %add3A_415, %rem3A_406 : i32
    %dma_start3A_417 = arith.constant 7 : i32
    %dma_start3A_418 = arith.constant 0 : i32
    %dma_start3A_419 = tpu.memref_slice %arg5[%dma_start3A_417, %dma_start3A_418] : memref<9x128xi32, #tpu.memory_space<vmem>> -> memref<1x128xi32, #tpu.memory_space<vmem>>
    %dma_start3A_420 = tpu.memref_squeeze %dma_start3A_419 : memref<1x128xi32, #tpu.memory_space<vmem>> -> memref<128xi32, #tpu.memory_space<vmem>>
    %dma_start3A_421 = arith.constant 0 : i32
    %dma_start3A_422 = tpu.memref_slice %arg3[%select_n3A_400, %select_n3A_416, %dma_start3A_421] : memref<32x9x128xi32, #tpu.memory_space<hbm>> -> memref<1x1x128xi32, #tpu.memory_space<hbm>>
    %dma_start3A_423 = tpu.memref_squeeze %dma_start3A_422 : memref<1x1x128xi32, #tpu.memory_space<hbm>> -> memref<128xi32, #tpu.memory_space<hbm>>
    %dma_start3A_424 = arith.constant 0 : i32
    %dma_start3A_425 = tpu.memref_slice %arg5[%dma_start3A_417, %dma_start3A_424] : memref<9x128xi32, #tpu.memory_space<vmem>> -> memref<1x128xi32, #tpu.memory_space<vmem>>
    %dma_start3A_426 = tpu.memref_squeeze %dma_start3A_425 : memref<1x128xi32, #tpu.memory_space<vmem>> -> memref<128xi32, #tpu.memory_space<vmem>>
    %dma_start3A_427 = arith.constant 0 : i32
    %dma_start3A_428 = tpu.memref_slice %arg3[%select_n3A_400, %select_n3A_416, %dma_start3A_427] : memref<32x9x128xi32, #tpu.memory_space<hbm>> -> memref<1x1x128xi32, #tpu.memory_space<hbm>>
    %dma_start3A_429 = tpu.memref_squeeze %dma_start3A_428 : memref<1x1x128xi32, #tpu.memory_space<hbm>> -> memref<128xi32, #tpu.memory_space<hbm>>
    tpu.enqueue_dma source(%dma_start3A_429 : memref<128xi32, #tpu.memory_space<hbm>>) target(%dma_start3A_426 : memref<128xi32, #tpu.memory_space<vmem>>) target_semaphore(%arg7 : memref<!tpu.dma_semaphore, #tpu.memory_space<semaphore_mem>>)
    %add3A_430 = arith.constant 256 : i32
    %add3A_431 = arith.addi %add3A, %add3A_430 : i32
    %jit3A_432 = arith.constant 9 : i32
    %div3A_433 = arith.divsi %add3A_431, %jit3A_432 : i32
    %sign3A_434 = arith.constant 0 : i32
    %sign3A_435 = arith.cmpi sgt, %add3A_431, %sign3A_434 : i32
    %sign3A_436 = arith.extui %sign3A_435 : i1 to i32
    %sign3A_437 = arith.constant 0 : i32
    %sign3A_438 = arith.cmpi slt, %add3A_431, %sign3A_437 : i32
    %sign3A_439 = arith.extui %sign3A_438 : i1 to i32
    %sign3A_440 = arith.subi %sign3A_436, %sign3A_439 : i32
    %sign3A_441 = arith.constant 0 : i32
    %sign3A_442 = arith.cmpi sgt, %jit3A_432, %sign3A_441 : i32
    %sign3A_443 = arith.extui %sign3A_442 : i1 to i32
    %sign3A_444 = arith.constant 0 : i32
    %sign3A_445 = arith.cmpi slt, %jit3A_432, %sign3A_444 : i32
    %sign3A_446 = arith.extui %sign3A_445 : i1 to i32
    %sign3A_447 = arith.subi %sign3A_443, %sign3A_446 : i32
    %ne3A_448 = arith.cmpi ne, %sign3A_440, %sign3A_447 : i32
    %rem3A_449 = arith.remsi %add3A_431, %jit3A_432 : i32
    %ne3A_450 = arith.constant 0 : i32
    %ne3A_451 = arith.cmpi ne, %rem3A_449, %ne3A_450 : i32
    %and3A_452 = arith.andi %ne3A_448, %ne3A_451 : i1
    %sub3A_453 = arith.constant 1 : i32
    %sub3A_454 = arith.subi %div3A_433, %sub3A_453 : i32
    %select_n3A_455 = arith.select %and3A_452, %sub3A_454, %div3A_433 : i32
    %jit3A_456 = arith.constant 9 : i32
    %eq3A_457 = arith.constant 0 : i32
    %eq3A_458 = arith.cmpi eq, %jit3A_456, %eq3A_457 : i32
    %jit3A_459 = arith.constant 1 : i32
    %select_n3A_460 = arith.select %eq3A_458, %jit3A_459, %jit3A_456 : i32
    %rem3A_461 = arith.remsi %add3A_431, %select_n3A_460 : i32
    %ne3A_462 = arith.constant 0 : i32
    %ne3A_463 = arith.cmpi ne, %rem3A_461, %ne3A_462 : i32
    %lt3A_464 = arith.constant 0 : i32
    %lt3A_465 = arith.cmpi slt, %rem3A_461, %lt3A_464 : i32
    %lt3A_466 = arith.constant 0 : i32
    %lt3A_467 = arith.cmpi slt, %select_n3A_460, %lt3A_466 : i32
    %ne3A_468 = arith.xori %lt3A_465, %lt3A_467 : i1
    %and3A_469 = arith.andi %ne3A_468, %ne3A_463 : i1
    %add3A_470 = arith.addi %rem3A_461, %select_n3A_460 : i32
    %select_n3A_471 = arith.select %and3A_469, %add3A_470, %rem3A_461 : i32
    %dma_start3A_472 = arith.constant 8 : i32
    %dma_start3A_473 = arith.constant 0 : i32
    %dma_start3A_474 = tpu.memref_slice %arg5[%dma_start3A_472, %dma_start3A_473] : memref<9x128xi32, #tpu.memory_space<vmem>> -> memref<1x128xi32, #tpu.memory_space<vmem>>
    %dma_start3A_475 = tpu.memref_squeeze %dma_start3A_474 : memref<1x128xi32, #tpu.memory_space<vmem>> -> memref<128xi32, #tpu.memory_space<vmem>>
    %dma_start3A_476 = arith.constant 0 : i32
    %dma_start3A_477 = tpu.memref_slice %arg3[%select_n3A_455, %select_n3A_471, %dma_start3A_476] : memref<32x9x128xi32, #tpu.memory_space<hbm>> -> memref<1x1x128xi32, #tpu.memory_space<hbm>>
    %dma_start3A_478 = tpu.memref_squeeze %dma_start3A_477 : memref<1x1x128xi32, #tpu.memory_space<hbm>> -> memref<128xi32, #tpu.memory_space<hbm>>
    %dma_start3A_479 = arith.constant 0 : i32
    %dma_start3A_480 = tpu.memref_slice %arg5[%dma_start3A_472, %dma_start3A_479] : memref<9x128xi32, #tpu.memory_space<vmem>> -> memref<1x128xi32, #tpu.memory_space<vmem>>
    %dma_start3A_481 = tpu.memref_squeeze %dma_start3A_480 : memref<1x128xi32, #tpu.memory_space<vmem>> -> memref<128xi32, #tpu.memory_space<vmem>>
    %dma_start3A_482 = arith.constant 0 : i32
    %dma_start3A_483 = tpu.memref_slice %arg3[%select_n3A_455, %select_n3A_471, %dma_start3A_482] : memref<32x9x128xi32, #tpu.memory_space<hbm>> -> memref<1x1x128xi32, #tpu.memory_space<hbm>>
    %dma_start3A_484 = tpu.memref_squeeze %dma_start3A_483 : memref<1x1x128xi32, #tpu.memory_space<hbm>> -> memref<128xi32, #tpu.memory_space<hbm>>
    tpu.enqueue_dma source(%dma_start3A_484 : memref<128xi32, #tpu.memory_space<hbm>>) target(%dma_start3A_481 : memref<128xi32, #tpu.memory_space<vmem>>) target_semaphore(%arg7 : memref<!tpu.dma_semaphore, #tpu.memory_space<semaphore_mem>>)
    %dma_wait3A = arith.constant 0 : i32
    %dma_wait3A_485 = arith.constant 0 : i32
    %dma_wait3A_486 = tpu.memref_slice %arg5[%dma_wait3A, %dma_wait3A_485] : memref<9x128xi32, #tpu.memory_space<vmem>> -> memref<1x128xi32, #tpu.memory_space<vmem>>
    %dma_wait3A_487 = tpu.memref_squeeze %dma_wait3A_486 : memref<1x128xi32, #tpu.memory_space<vmem>> -> memref<128xi32, #tpu.memory_space<vmem>>
    %dma_wait3A_488 = arith.constant 0 : i32
    %dma_wait3A_489 = tpu.memref_slice %arg3[%select_n3A, %select_n3A_32, %dma_wait3A_488] : memref<32x9x128xi32, #tpu.memory_space<hbm>> -> memref<1x1x128xi32, #tpu.memory_space<hbm>>
    %dma_wait3A_490 = tpu.memref_squeeze %dma_wait3A_489 : memref<1x1x128xi32, #tpu.memory_space<hbm>> -> memref<128xi32, #tpu.memory_space<hbm>>
    %dma_wait3A_491 = arith.constant 0 : i32
    %dma_wait3A_492 = tpu.memref_slice %arg5[%dma_wait3A, %dma_wait3A_491] : memref<9x128xi32, #tpu.memory_space<vmem>> -> memref<1x128xi32, #tpu.memory_space<vmem>>
    %dma_wait3A_493 = tpu.memref_squeeze %dma_wait3A_492 : memref<1x128xi32, #tpu.memory_space<vmem>> -> memref<128xi32, #tpu.memory_space<vmem>>
    %dma_wait3A_494 = arith.constant 0 : i32
    %dma_wait3A_495 = tpu.memref_slice %arg3[%select_n3A, %select_n3A_32, %dma_wait3A_494] : memref<32x9x128xi32, #tpu.memory_space<hbm>> -> memref<1x1x128xi32, #tpu.memory_space<hbm>>
    %dma_wait3A_496 = tpu.memref_squeeze %dma_wait3A_495 : memref<1x1x128xi32, #tpu.memory_space<hbm>> -> memref<128xi32, #tpu.memory_space<hbm>>
    tpu.wait_dma2 semaphore(%arg7 : memref<!tpu.dma_semaphore, #tpu.memory_space<semaphore_mem>>) src(%dma_wait3A_496 : memref<128xi32, #tpu.memory_space<hbm>>) dst(%dma_wait3A_493 : memref<128xi32, #tpu.memory_space<vmem>>)
    %dma_start3A_497 = arith.constant 0 : i32
    %dma_start3A_498 = arith.constant 0 : i32
    %dma_start3A_499 = arith.constant 0 : i32
    %dma_start3A_500 = arith.constant 0 : i32
    %dma_start3A_501 = tpu.memref_slice %arg6[%dma_start3A_498, %dma_start3A_499, %dma_start3A_500] : memref<3x128x128xf32, #tpu.memory_space<vmem>> -> memref<1x128x128xf32, #tpu.memory_space<vmem>>
    %dma_start3A_502 = tpu.memref_squeeze %dma_start3A_501 : memref<1x128x128xf32, #tpu.memory_space<vmem>> -> memref<128x128xf32, #tpu.memory_space<vmem>>
    %dma_start3A_503 = arith.constant 0 : i32
    %dma_start3A_504 = tpu.memref_slice %arg5[%dma_start3A_497, %dma_start3A_503] : memref<9x128xi32, #tpu.memory_space<vmem>> -> memref<1x128xi32, #tpu.memory_space<vmem>>
    %dma_start3A_505 = tpu.memref_squeeze %dma_start3A_504 : memref<1x128xi32, #tpu.memory_space<vmem>> -> memref<128xi32, #tpu.memory_space<vmem>>
    %dma_start3A_506 = arith.constant 0 : i32
    %dma_start3A_507 = arith.constant 0 : i32
    %dma_start3A_508 = tpu.memref_slice %arg2[%dma_start3A_506, %dma_start3A_507] : memref<1024x128xf32, #tpu.memory_space<hbm>> -> memref<1024x128xf32, #tpu.memory_space<hbm>>
    tpu.enqueue_indirect_dma source(%dma_start3A_508 : memref<1024x128xf32, #tpu.memory_space<hbm>>) target(%dma_start3A_502 : memref<128x128xf32, #tpu.memory_space<vmem>>) offsets(%dma_start3A_505 : memref<128xi32, #tpu.memory_space<vmem>>) semaphore(%arg8 : memref<!tpu.dma_semaphore, #tpu.memory_space<semaphore_mem>>)
    %dma_wait3A_509 = arith.constant 1 : i32
    %dma_wait3A_510 = arith.constant 0 : i32
    %dma_wait3A_511 = tpu.memref_slice %arg5[%dma_wait3A_509, %dma_wait3A_510] : memref<9x128xi32, #tpu.memory_space<vmem>> -> memref<1x128xi32, #tpu.memory_space<vmem>>
    %dma_wait3A_512 = tpu.memref_squeeze %dma_wait3A_511 : memref<1x128xi32, #tpu.memory_space<vmem>> -> memref<128xi32, #tpu.memory_space<vmem>>
    %dma_wait3A_513 = arith.constant 0 : i32
    %dma_wait3A_514 = tpu.memref_slice %arg3[%select_n3A_70, %select_n3A_86, %dma_wait3A_513] : memref<32x9x128xi32, #tpu.memory_space<hbm>> -> memref<1x1x128xi32, #tpu.memory_space<hbm>>
    %dma_wait3A_515 = tpu.memref_squeeze %dma_wait3A_514 : memref<1x1x128xi32, #tpu.memory_space<hbm>> -> memref<128xi32, #tpu.memory_space<hbm>>
    %dma_wait3A_516 = arith.constant 0 : i32
    %dma_wait3A_517 = tpu.memref_slice %arg5[%dma_wait3A_509, %dma_wait3A_516] : memref<9x128xi32, #tpu.memory_space<vmem>> -> memref<1x128xi32, #tpu.memory_space<vmem>>
    %dma_wait3A_518 = tpu.memref_squeeze %dma_wait3A_517 : memref<1x128xi32, #tpu.memory_space<vmem>> -> memref<128xi32, #tpu.memory_space<vmem>>
    %dma_wait3A_519 = arith.constant 0 : i32
    %dma_wait3A_520 = tpu.memref_slice %arg3[%select_n3A_70, %select_n3A_86, %dma_wait3A_519] : memref<32x9x128xi32, #tpu.memory_space<hbm>> -> memref<1x1x128xi32, #tpu.memory_space<hbm>>
    %dma_wait3A_521 = tpu.memref_squeeze %dma_wait3A_520 : memref<1x1x128xi32, #tpu.memory_space<hbm>> -> memref<128xi32, #tpu.memory_space<hbm>>
    tpu.wait_dma2 semaphore(%arg7 : memref<!tpu.dma_semaphore, #tpu.memory_space<semaphore_mem>>) src(%dma_wait3A_521 : memref<128xi32, #tpu.memory_space<hbm>>) dst(%dma_wait3A_518 : memref<128xi32, #tpu.memory_space<vmem>>)
    %dma_start3A_522 = arith.constant 1 : i32
    %dma_start3A_523 = arith.constant 1 : i32
    %dma_start3A_524 = arith.constant 0 : i32
    %dma_start3A_525 = arith.constant 0 : i32
    %dma_start3A_526 = tpu.memref_slice %arg6[%dma_start3A_523, %dma_start3A_524, %dma_start3A_525] : memref<3x128x128xf32, #tpu.memory_space<vmem>> -> memref<1x128x128xf32, #tpu.memory_space<vmem>>
    %dma_start3A_527 = tpu.memref_squeeze %dma_start3A_526 : memref<1x128x128xf32, #tpu.memory_space<vmem>> -> memref<128x128xf32, #tpu.memory_space<vmem>>
    %dma_start3A_528 = arith.constant 0 : i32
    %dma_start3A_529 = tpu.memref_slice %arg5[%dma_start3A_522, %dma_start3A_528] : memref<9x128xi32, #tpu.memory_space<vmem>> -> memref<1x128xi32, #tpu.memory_space<vmem>>
    %dma_start3A_530 = tpu.memref_squeeze %dma_start3A_529 : memref<1x128xi32, #tpu.memory_space<vmem>> -> memref<128xi32, #tpu.memory_space<vmem>>
    %dma_start3A_531 = arith.constant 0 : i32
    %dma_start3A_532 = arith.constant 0 : i32
    %dma_start3A_533 = tpu.memref_slice %arg2[%dma_start3A_531, %dma_start3A_532] : memref<1024x128xf32, #tpu.memory_space<hbm>> -> memref<1024x128xf32, #tpu.memory_space<hbm>>
    tpu.enqueue_indirect_dma source(%dma_start3A_533 : memref<1024x128xf32, #tpu.memory_space<hbm>>) target(%dma_start3A_527 : memref<128x128xf32, #tpu.memory_space<vmem>>) offsets(%dma_start3A_530 : memref<128xi32, #tpu.memory_space<vmem>>) semaphore(%arg8 : memref<!tpu.dma_semaphore, #tpu.memory_space<semaphore_mem>>)
    %dma_wait3A_534 = arith.constant 0 : i32
    %dma_wait3A_535 = arith.constant 0 : i32
    %dma_wait3A_536 = arith.constant 0 : i32
    %dma_wait3A_537 = arith.constant 0 : i32
    %dma_wait3A_538 = tpu.memref_slice %arg6[%dma_wait3A_535, %dma_wait3A_536, %dma_wait3A_537] : memref<3x128x128xf32, #tpu.memory_space<vmem>> -> memref<1x128x128xf32, #tpu.memory_space<vmem>>
    %dma_wait3A_539 = tpu.memref_squeeze %dma_wait3A_538 : memref<1x128x128xf32, #tpu.memory_space<vmem>> -> memref<128x128xf32, #tpu.memory_space<vmem>>
    %dma_wait3A_540 = arith.constant 0 : i32
    %dma_wait3A_541 = tpu.memref_slice %arg5[%dma_wait3A_534, %dma_wait3A_540] : memref<9x128xi32, #tpu.memory_space<vmem>> -> memref<1x128xi32, #tpu.memory_space<vmem>>
    %dma_wait3A_542 = tpu.memref_squeeze %dma_wait3A_541 : memref<1x128xi32, #tpu.memory_space<vmem>> -> memref<128xi32, #tpu.memory_space<vmem>>
    %dma_wait3A_543 = arith.constant 0 : i32
    %dma_wait3A_544 = arith.constant 0 : i32
    %dma_wait3A_545 = tpu.memref_slice %arg2[%dma_wait3A_543, %dma_wait3A_544] : memref<1024x128xf32, #tpu.memory_space<hbm>> -> memref<1024x128xf32, #tpu.memory_space<hbm>>
    tpu.wait_indirect_dma semaphore(%arg8 : memref<!tpu.dma_semaphore, #tpu.memory_space<semaphore_mem>>) src(%dma_wait3A_545 : memref<1024x128xf32, #tpu.memory_space<hbm>>) dst(%dma_wait3A_539 : memref<128x128xf32, #tpu.memory_space<vmem>>)
    %add3A_546 = arith.constant 0 : i32
    %add3A_547 = arith.addi %add3A, %add3A_546 : i32
    %mul3A_548 = arith.constant 128 : i32
    %mul3A_549 = arith.muli %add3A_547, %mul3A_548 : i32
    %dma_start3A_550 = arith.constant 0 : i32
    %dma_start3A_551 = arith.constant 0 : i32
    %dma_start3A_552 = arith.constant 0 : i32
    %dma_start3A_553 = tpu.memref_slice %arg6[%dma_start3A_550, %dma_start3A_551, %dma_start3A_552] : memref<3x128x128xf32, #tpu.memory_space<vmem>> -> memref<1x128x128xf32, #tpu.memory_space<vmem>>
    %dma_start3A_554 = tpu.memref_squeeze %dma_start3A_553 : memref<1x128x128xf32, #tpu.memory_space<vmem>> -> memref<128x128xf32, #tpu.memory_space<vmem>>
    %dma_start3A_555 = arith.constant 0 : i32
    %dma_start3A_556 = tpu.memref_slice %arg4[%mul3A_549, %dma_start3A_555] : memref<36864x128xf32, #tpu.memory_space<hbm>> -> memref<128x128xf32, #tpu.memory_space<hbm>>
    %dma_start3A_557 = arith.constant 0 : i32
    %dma_start3A_558 = tpu.memref_slice %arg4[%mul3A_549, %dma_start3A_557] : memref<36864x128xf32, #tpu.memory_space<hbm>> -> memref<128x128xf32, #tpu.memory_space<hbm>>
    %dma_start3A_559 = arith.constant 0 : i32
    %dma_start3A_560 = arith.constant 0 : i32
    %dma_start3A_561 = tpu.memref_slice %arg6[%dma_start3A_550, %dma_start3A_559, %dma_start3A_560] : memref<3x128x128xf32, #tpu.memory_space<vmem>> -> memref<1x128x128xf32, #tpu.memory_space<vmem>>
    %dma_start3A_562 = tpu.memref_squeeze %dma_start3A_561 : memref<1x128x128xf32, #tpu.memory_space<vmem>> -> memref<128x128xf32, #tpu.memory_space<vmem>>
    tpu.enqueue_dma source(%dma_start3A_562 : memref<128x128xf32, #tpu.memory_space<vmem>>) target(%dma_start3A_558 : memref<128x128xf32, #tpu.memory_space<hbm>>) target_semaphore(%arg9 : memref<!tpu.dma_semaphore, #tpu.memory_space<semaphore_mem>>)
    %dma_wait3A_563 = arith.constant 2 : i32
    %dma_wait3A_564 = arith.constant 0 : i32
    %dma_wait3A_565 = tpu.memref_slice %arg5[%dma_wait3A_563, %dma_wait3A_564] : memref<9x128xi32, #tpu.memory_space<vmem>> -> memref<1x128xi32, #tpu.memory_space<vmem>>
    %dma_wait3A_566 = tpu.memref_squeeze %dma_wait3A_565 : memref<1x128xi32, #tpu.memory_space<vmem>> -> memref<128xi32, #tpu.memory_space<vmem>>
    %dma_wait3A_567 = arith.constant 0 : i32
    %dma_wait3A_568 = tpu.memref_slice %arg3[%select_n3A_125, %select_n3A_141, %dma_wait3A_567] : memref<32x9x128xi32, #tpu.memory_space<hbm>> -> memref<1x1x128xi32, #tpu.memory_space<hbm>>
    %dma_wait3A_569 = tpu.memref_squeeze %dma_wait3A_568 : memref<1x1x128xi32, #tpu.memory_space<hbm>> -> memref<128xi32, #tpu.memory_space<hbm>>
    %dma_wait3A_570 = arith.constant 0 : i32
    %dma_wait3A_571 = tpu.memref_slice %arg5[%dma_wait3A_563, %dma_wait3A_570] : memref<9x128xi32, #tpu.memory_space<vmem>> -> memref<1x128xi32, #tpu.memory_space<vmem>>
    %dma_wait3A_572 = tpu.memref_squeeze %dma_wait3A_571 : memref<1x128xi32, #tpu.memory_space<vmem>> -> memref<128xi32, #tpu.memory_space<vmem>>
    %dma_wait3A_573 = arith.constant 0 : i32
    %dma_wait3A_574 = tpu.memref_slice %arg3[%select_n3A_125, %select_n3A_141, %dma_wait3A_573] : memref<32x9x128xi32, #tpu.memory_space<hbm>> -> memref<1x1x128xi32, #tpu.memory_space<hbm>>
    %dma_wait3A_575 = tpu.memref_squeeze %dma_wait3A_574 : memref<1x1x128xi32, #tpu.memory_space<hbm>> -> memref<128xi32, #tpu.memory_space<hbm>>
    tpu.wait_dma2 semaphore(%arg7 : memref<!tpu.dma_semaphore, #tpu.memory_space<semaphore_mem>>) src(%dma_wait3A_575 : memref<128xi32, #tpu.memory_space<hbm>>) dst(%dma_wait3A_572 : memref<128xi32, #tpu.memory_space<vmem>>)
    %dma_start3A_576 = arith.constant 2 : i32
    %dma_start3A_577 = arith.constant 2 : i32
    %dma_start3A_578 = arith.constant 0 : i32
    %dma_start3A_579 = arith.constant 0 : i32
    %dma_start3A_580 = tpu.memref_slice %arg6[%dma_start3A_577, %dma_start3A_578, %dma_start3A_579] : memref<3x128x128xf32, #tpu.memory_space<vmem>> -> memref<1x128x128xf32, #tpu.memory_space<vmem>>
    %dma_start3A_581 = tpu.memref_squeeze %dma_start3A_580 : memref<1x128x128xf32, #tpu.memory_space<vmem>> -> memref<128x128xf32, #tpu.memory_space<vmem>>
    %dma_start3A_582 = arith.constant 0 : i32
    %dma_start3A_583 = tpu.memref_slice %arg5[%dma_start3A_576, %dma_start3A_582] : memref<9x128xi32, #tpu.memory_space<vmem>> -> memref<1x128xi32, #tpu.memory_space<vmem>>
    %dma_start3A_584 = tpu.memref_squeeze %dma_start3A_583 : memref<1x128xi32, #tpu.memory_space<vmem>> -> memref<128xi32, #tpu.memory_space<vmem>>
    %dma_start3A_585 = arith.constant 0 : i32
    %dma_start3A_586 = arith.constant 0 : i32
    %dma_start3A_587 = tpu.memref_slice %arg2[%dma_start3A_585, %dma_start3A_586] : memref<1024x128xf32, #tpu.memory_space<hbm>> -> memref<1024x128xf32, #tpu.memory_space<hbm>>
    tpu.enqueue_indirect_dma source(%dma_start3A_587 : memref<1024x128xf32, #tpu.memory_space<hbm>>) target(%dma_start3A_581 : memref<128x128xf32, #tpu.memory_space<vmem>>) offsets(%dma_start3A_584 : memref<128xi32, #tpu.memory_space<vmem>>) semaphore(%arg8 : memref<!tpu.dma_semaphore, #tpu.memory_space<semaphore_mem>>)
    %dma_wait3A_588 = arith.constant 1 : i32
    %dma_wait3A_589 = arith.constant 1 : i32
    %dma_wait3A_590 = arith.constant 0 : i32
    %dma_wait3A_591 = arith.constant 0 : i32
    %dma_wait3A_592 = tpu.memref_slice %arg6[%dma_wait3A_589, %dma_wait3A_590, %dma_wait3A_591] : memref<3x128x128xf32, #tpu.memory_space<vmem>> -> memref<1x128x128xf32, #tpu.memory_space<vmem>>
    %dma_wait3A_593 = tpu.memref_squeeze %dma_wait3A_592 : memref<1x128x128xf32, #tpu.memory_space<vmem>> -> memref<128x128xf32, #tpu.memory_space<vmem>>
    %dma_wait3A_594 = arith.constant 0 : i32
    %dma_wait3A_595 = tpu.memref_slice %arg5[%dma_wait3A_588, %dma_wait3A_594] : memref<9x128xi32, #tpu.memory_space<vmem>> -> memref<1x128xi32, #tpu.memory_space<vmem>>
    %dma_wait3A_596 = tpu.memref_squeeze %dma_wait3A_595 : memref<1x128xi32, #tpu.memory_space<vmem>> -> memref<128xi32, #tpu.memory_space<vmem>>
    %dma_wait3A_597 = arith.constant 0 : i32
    %dma_wait3A_598 = arith.constant 0 : i32
    %dma_wait3A_599 = tpu.memref_slice %arg2[%dma_wait3A_597, %dma_wait3A_598] : memref<1024x128xf32, #tpu.memory_space<hbm>> -> memref<1024x128xf32, #tpu.memory_space<hbm>>
    tpu.wait_indirect_dma semaphore(%arg8 : memref<!tpu.dma_semaphore, #tpu.memory_space<semaphore_mem>>) src(%dma_wait3A_599 : memref<1024x128xf32, #tpu.memory_space<hbm>>) dst(%dma_wait3A_593 : memref<128x128xf32, #tpu.memory_space<vmem>>)
    %add3A_600 = arith.constant 32 : i32
    %add3A_601 = arith.addi %add3A, %add3A_600 : i32
    %mul3A_602 = arith.constant 128 : i32
    %mul3A_603 = arith.muli %add3A_601, %mul3A_602 : i32
    %dma_start3A_604 = arith.constant 1 : i32
    %dma_start3A_605 = arith.constant 0 : i32
    %dma_start3A_606 = arith.constant 0 : i32
    %dma_start3A_607 = tpu.memref_slice %arg6[%dma_start3A_604, %dma_start3A_605, %dma_start3A_606] : memref<3x128x128xf32, #tpu.memory_space<vmem>> -> memref<1x128x128xf32, #tpu.memory_space<vmem>>
    %dma_start3A_608 = tpu.memref_squeeze %dma_start3A_607 : memref<1x128x128xf32, #tpu.memory_space<vmem>> -> memref<128x128xf32, #tpu.memory_space<vmem>>
    %dma_start3A_609 = arith.constant 0 : i32
    %dma_start3A_610 = tpu.memref_slice %arg4[%mul3A_603, %dma_start3A_609] : memref<36864x128xf32, #tpu.memory_space<hbm>> -> memref<128x128xf32, #tpu.memory_space<hbm>>
    %dma_start3A_611 = arith.constant 0 : i32
    %dma_start3A_612 = tpu.memref_slice %arg4[%mul3A_603, %dma_start3A_611] : memref<36864x128xf32, #tpu.memory_space<hbm>> -> memref<128x128xf32, #tpu.memory_space<hbm>>
    %dma_start3A_613 = arith.constant 0 : i32
    %dma_start3A_614 = arith.constant 0 : i32
    %dma_start3A_615 = tpu.memref_slice %arg6[%dma_start3A_604, %dma_start3A_613, %dma_start3A_614] : memref<3x128x128xf32, #tpu.memory_space<vmem>> -> memref<1x128x128xf32, #tpu.memory_space<vmem>>
    %dma_start3A_616 = tpu.memref_squeeze %dma_start3A_615 : memref<1x128x128xf32, #tpu.memory_space<vmem>> -> memref<128x128xf32, #tpu.memory_space<vmem>>
    tpu.enqueue_dma source(%dma_start3A_616 : memref<128x128xf32, #tpu.memory_space<vmem>>) target(%dma_start3A_612 : memref<128x128xf32, #tpu.memory_space<hbm>>) target_semaphore(%arg9 : memref<!tpu.dma_semaphore, #tpu.memory_space<semaphore_mem>>)
    %dma_wait3A_617 = arith.constant 0 : i32
    %dma_wait3A_618 = arith.constant 0 : i32
    %dma_wait3A_619 = arith.constant 0 : i32
    %dma_wait3A_620 = tpu.memref_slice %arg6[%dma_wait3A_617, %dma_wait3A_618, %dma_wait3A_619] : memref<3x128x128xf32, #tpu.memory_space<vmem>> -> memref<1x128x128xf32, #tpu.memory_space<vmem>>
    %dma_wait3A_621 = tpu.memref_squeeze %dma_wait3A_620 : memref<1x128x128xf32, #tpu.memory_space<vmem>> -> memref<128x128xf32, #tpu.memory_space<vmem>>
    %dma_wait3A_622 = arith.constant 0 : i32
    %dma_wait3A_623 = tpu.memref_slice %arg4[%mul3A_549, %dma_wait3A_622] : memref<36864x128xf32, #tpu.memory_space<hbm>> -> memref<128x128xf32, #tpu.memory_space<hbm>>
    %dma_wait3A_624 = arith.constant 0 : i32
    %dma_wait3A_625 = tpu.memref_slice %arg4[%mul3A_549, %dma_wait3A_624] : memref<36864x128xf32, #tpu.memory_space<hbm>> -> memref<128x128xf32, #tpu.memory_space<hbm>>
    %dma_wait3A_626 = arith.constant 0 : i32
    %dma_wait3A_627 = arith.constant 0 : i32
    %dma_wait3A_628 = tpu.memref_slice %arg6[%dma_wait3A_617, %dma_wait3A_626, %dma_wait3A_627] : memref<3x128x128xf32, #tpu.memory_space<vmem>> -> memref<1x128x128xf32, #tpu.memory_space<vmem>>
    %dma_wait3A_629 = tpu.memref_squeeze %dma_wait3A_628 : memref<1x128x128xf32, #tpu.memory_space<vmem>> -> memref<128x128xf32, #tpu.memory_space<vmem>>
    tpu.wait_dma2 semaphore(%arg9 : memref<!tpu.dma_semaphore, #tpu.memory_space<semaphore_mem>>) src(%dma_wait3A_629 : memref<128x128xf32, #tpu.memory_space<vmem>>) dst(%dma_wait3A_625 : memref<128x128xf32, #tpu.memory_space<hbm>>)
    %dma_wait3A_630 = arith.constant 3 : i32
    %dma_wait3A_631 = arith.constant 0 : i32
    %dma_wait3A_632 = tpu.memref_slice %arg5[%dma_wait3A_630, %dma_wait3A_631] : memref<9x128xi32, #tpu.memory_space<vmem>> -> memref<1x128xi32, #tpu.memory_space<vmem>>
    %dma_wait3A_633 = tpu.memref_squeeze %dma_wait3A_632 : memref<1x128xi32, #tpu.memory_space<vmem>> -> memref<128xi32, #tpu.memory_space<vmem>>
    %dma_wait3A_634 = arith.constant 0 : i32
    %dma_wait3A_635 = tpu.memref_slice %arg3[%select_n3A_180, %select_n3A_196, %dma_wait3A_634] : memref<32x9x128xi32, #tpu.memory_space<hbm>> -> memref<1x1x128xi32, #tpu.memory_space<hbm>>
    %dma_wait3A_636 = tpu.memref_squeeze %dma_wait3A_635 : memref<1x1x128xi32, #tpu.memory_space<hbm>> -> memref<128xi32, #tpu.memory_space<hbm>>
    %dma_wait3A_637 = arith.constant 0 : i32
    %dma_wait3A_638 = tpu.memref_slice %arg5[%dma_wait3A_630, %dma_wait3A_637] : memref<9x128xi32, #tpu.memory_space<vmem>> -> memref<1x128xi32, #tpu.memory_space<vmem>>
    %dma_wait3A_639 = tpu.memref_squeeze %dma_wait3A_638 : memref<1x128xi32, #tpu.memory_space<vmem>> -> memref<128xi32, #tpu.memory_space<vmem>>
    %dma_wait3A_640 = arith.constant 0 : i32
    %dma_wait3A_641 = tpu.memref_slice %arg3[%select_n3A_180, %select_n3A_196, %dma_wait3A_640] : memref<32x9x128xi32, #tpu.memory_space<hbm>> -> memref<1x1x128xi32, #tpu.memory_space<hbm>>
    %dma_wait3A_642 = tpu.memref_squeeze %dma_wait3A_641 : memref<1x1x128xi32, #tpu.memory_space<hbm>> -> memref<128xi32, #tpu.memory_space<hbm>>
    tpu.wait_dma2 semaphore(%arg7 : memref<!tpu.dma_semaphore, #tpu.memory_space<semaphore_mem>>) src(%dma_wait3A_642 : memref<128xi32, #tpu.memory_space<hbm>>) dst(%dma_wait3A_639 : memref<128xi32, #tpu.memory_space<vmem>>)
    %dma_start3A_643 = arith.constant 3 : i32
    %dma_start3A_644 = arith.constant 0 : i32
    %dma_start3A_645 = arith.constant 0 : i32
    %dma_start3A_646 = arith.constant 0 : i32
    %dma_start3A_647 = tpu.memref_slice %arg6[%dma_start3A_644, %dma_start3A_645, %dma_start3A_646] : memref<3x128x128xf32, #tpu.memory_space<vmem>> -> memref<1x128x128xf32, #tpu.memory_space<vmem>>
    %dma_start3A_648 = tpu.memref_squeeze %dma_start3A_647 : memref<1x128x128xf32, #tpu.memory_space<vmem>> -> memref<128x128xf32, #tpu.memory_space<vmem>>
    %dma_start3A_649 = arith.constant 0 : i32
    %dma_start3A_650 = tpu.memref_slice %arg5[%dma_start3A_643, %dma_start3A_649] : memref<9x128xi32, #tpu.memory_space<vmem>> -> memref<1x128xi32, #tpu.memory_space<vmem>>
    %dma_start3A_651 = tpu.memref_squeeze %dma_start3A_650 : memref<1x128xi32, #tpu.memory_space<vmem>> -> memref<128xi32, #tpu.memory_space<vmem>>
    %dma_start3A_652 = arith.constant 0 : i32
    %dma_start3A_653 = arith.constant 0 : i32
    %dma_start3A_654 = tpu.memref_slice %arg2[%dma_start3A_652, %dma_start3A_653] : memref<1024x128xf32, #tpu.memory_space<hbm>> -> memref<1024x128xf32, #tpu.memory_space<hbm>>
    tpu.enqueue_indirect_dma source(%dma_start3A_654 : memref<1024x128xf32, #tpu.memory_space<hbm>>) target(%dma_start3A_648 : memref<128x128xf32, #tpu.memory_space<vmem>>) offsets(%dma_start3A_651 : memref<128xi32, #tpu.memory_space<vmem>>) semaphore(%arg8 : memref<!tpu.dma_semaphore, #tpu.memory_space<semaphore_mem>>)
    %dma_wait3A_655 = arith.constant 2 : i32
    %dma_wait3A_656 = arith.constant 2 : i32
    %dma_wait3A_657 = arith.constant 0 : i32
    %dma_wait3A_658 = arith.constant 0 : i32
    %dma_wait3A_659 = tpu.memref_slice %arg6[%dma_wait3A_656, %dma_wait3A_657, %dma_wait3A_658] : memref<3x128x128xf32, #tpu.memory_space<vmem>> -> memref<1x128x128xf32, #tpu.memory_space<vmem>>
    %dma_wait3A_660 = tpu.memref_squeeze %dma_wait3A_659 : memref<1x128x128xf32, #tpu.memory_space<vmem>> -> memref<128x128xf32, #tpu.memory_space<vmem>>
    %dma_wait3A_661 = arith.constant 0 : i32
    %dma_wait3A_662 = tpu.memref_slice %arg5[%dma_wait3A_655, %dma_wait3A_661] : memref<9x128xi32, #tpu.memory_space<vmem>> -> memref<1x128xi32, #tpu.memory_space<vmem>>
    %dma_wait3A_663 = tpu.memref_squeeze %dma_wait3A_662 : memref<1x128xi32, #tpu.memory_space<vmem>> -> memref<128xi32, #tpu.memory_space<vmem>>
    %dma_wait3A_664 = arith.constant 0 : i32
    %dma_wait3A_665 = arith.constant 0 : i32
    %dma_wait3A_666 = tpu.memref_slice %arg2[%dma_wait3A_664, %dma_wait3A_665] : memref<1024x128xf32, #tpu.memory_space<hbm>> -> memref<1024x128xf32, #tpu.memory_space<hbm>>
    tpu.wait_indirect_dma semaphore(%arg8 : memref<!tpu.dma_semaphore, #tpu.memory_space<semaphore_mem>>) src(%dma_wait3A_666 : memref<1024x128xf32, #tpu.memory_space<hbm>>) dst(%dma_wait3A_660 : memref<128x128xf32, #tpu.memory_space<vmem>>)
    %add3A_667 = arith.constant 64 : i32
    %add3A_668 = arith.addi %add3A, %add3A_667 : i32
    %mul3A_669 = arith.constant 128 : i32
    %mul3A_670 = arith.muli %add3A_668, %mul3A_669 : i32
    %dma_start3A_671 = arith.constant 2 : i32
    %dma_start3A_672 = arith.constant 0 : i32
    %dma_start3A_673 = arith.constant 0 : i32
    %dma_start3A_674 = tpu.memref_slice %arg6[%dma_start3A_671, %dma_start3A_672, %dma_start3A_673] : memref<3x128x128xf32, #tpu.memory_space<vmem>> -> memref<1x128x128xf32, #tpu.memory_space<vmem>>
    %dma_start3A_675 = tpu.memref_squeeze %dma_start3A_674 : memref<1x128x128xf32, #tpu.memory_space<vmem>> -> memref<128x128xf32, #tpu.memory_space<vmem>>
    %dma_start3A_676 = arith.constant 0 : i32
    %dma_start3A_677 = tpu.memref_slice %arg4[%mul3A_670, %dma_start3A_676] : memref<36864x128xf32, #tpu.memory_space<hbm>> -> memref<128x128xf32, #tpu.memory_space<hbm>>
    %dma_start3A_678 = arith.constant 0 : i32
    %dma_start3A_679 = tpu.memref_slice %arg4[%mul3A_670, %dma_start3A_678] : memref<36864x128xf32, #tpu.memory_space<hbm>> -> memref<128x128xf32, #tpu.memory_space<hbm>>
    %dma_start3A_680 = arith.constant 0 : i32
    %dma_start3A_681 = arith.constant 0 : i32
    %dma_start3A_682 = tpu.memref_slice %arg6[%dma_start3A_671, %dma_start3A_680, %dma_start3A_681] : memref<3x128x128xf32, #tpu.memory_space<vmem>> -> memref<1x128x128xf32, #tpu.memory_space<vmem>>
    %dma_start3A_683 = tpu.memref_squeeze %dma_start3A_682 : memref<1x128x128xf32, #tpu.memory_space<vmem>> -> memref<128x128xf32, #tpu.memory_space<vmem>>
    tpu.enqueue_dma source(%dma_start3A_683 : memref<128x128xf32, #tpu.memory_space<vmem>>) target(%dma_start3A_679 : memref<128x128xf32, #tpu.memory_space<hbm>>) target_semaphore(%arg9 : memref<!tpu.dma_semaphore, #tpu.memory_space<semaphore_mem>>)
    %dma_wait3A_684 = arith.constant 1 : i32
    %dma_wait3A_685 = arith.constant 0 : i32
    %dma_wait3A_686 = arith.constant 0 : i32
    %dma_wait3A_687 = tpu.memref_slice %arg6[%dma_wait3A_684, %dma_wait3A_685, %dma_wait3A_686] : memref<3x128x128xf32, #tpu.memory_space<vmem>> -> memref<1x128x128xf32, #tpu.memory_space<vmem>>
    %dma_wait3A_688 = tpu.memref_squeeze %dma_wait3A_687 : memref<1x128x128xf32, #tpu.memory_space<vmem>> -> memref<128x128xf32, #tpu.memory_space<vmem>>
    %dma_wait3A_689 = arith.constant 0 : i32
    %dma_wait3A_690 = tpu.memref_slice %arg4[%mul3A_603, %dma_wait3A_689] : memref<36864x128xf32, #tpu.memory_space<hbm>> -> memref<128x128xf32, #tpu.memory_space<hbm>>
    %dma_wait3A_691 = arith.constant 0 : i32
    %dma_wait3A_692 = tpu.memref_slice %arg4[%mul3A_603, %dma_wait3A_691] : memref<36864x128xf32, #tpu.memory_space<hbm>> -> memref<128x128xf32, #tpu.memory_space<hbm>>
    %dma_wait3A_693 = arith.constant 0 : i32
    %dma_wait3A_694 = arith.constant 0 : i32
    %dma_wait3A_695 = tpu.memref_slice %arg6[%dma_wait3A_684, %dma_wait3A_693, %dma_wait3A_694] : memref<3x128x128xf32, #tpu.memory_space<vmem>> -> memref<1x128x128xf32, #tpu.memory_space<vmem>>
    %dma_wait3A_696 = tpu.memref_squeeze %dma_wait3A_695 : memref<1x128x128xf32, #tpu.memory_space<vmem>> -> memref<128x128xf32, #tpu.memory_space<vmem>>
    tpu.wait_dma2 semaphore(%arg9 : memref<!tpu.dma_semaphore, #tpu.memory_space<semaphore_mem>>) src(%dma_wait3A_696 : memref<128x128xf32, #tpu.memory_space<vmem>>) dst(%dma_wait3A_692 : memref<128x128xf32, #tpu.memory_space<hbm>>)
    %dma_wait3A_697 = arith.constant 4 : i32
    %dma_wait3A_698 = arith.constant 0 : i32
    %dma_wait3A_699 = tpu.memref_slice %arg5[%dma_wait3A_697, %dma_wait3A_698] : memref<9x128xi32, #tpu.memory_space<vmem>> -> memref<1x128xi32, #tpu.memory_space<vmem>>
    %dma_wait3A_700 = tpu.memref_squeeze %dma_wait3A_699 : memref<1x128xi32, #tpu.memory_space<vmem>> -> memref<128xi32, #tpu.memory_space<vmem>>
    %dma_wait3A_701 = arith.constant 0 : i32
    %dma_wait3A_702 = tpu.memref_slice %arg3[%select_n3A_235, %select_n3A_251, %dma_wait3A_701] : memref<32x9x128xi32, #tpu.memory_space<hbm>> -> memref<1x1x128xi32, #tpu.memory_space<hbm>>
    %dma_wait3A_703 = tpu.memref_squeeze %dma_wait3A_702 : memref<1x1x128xi32, #tpu.memory_space<hbm>> -> memref<128xi32, #tpu.memory_space<hbm>>
    %dma_wait3A_704 = arith.constant 0 : i32
    %dma_wait3A_705 = tpu.memref_slice %arg5[%dma_wait3A_697, %dma_wait3A_704] : memref<9x128xi32, #tpu.memory_space<vmem>> -> memref<1x128xi32, #tpu.memory_space<vmem>>
    %dma_wait3A_706 = tpu.memref_squeeze %dma_wait3A_705 : memref<1x128xi32, #tpu.memory_space<vmem>> -> memref<128xi32, #tpu.memory_space<vmem>>
    %dma_wait3A_707 = arith.constant 0 : i32
    %dma_wait3A_708 = tpu.memref_slice %arg3[%select_n3A_235, %select_n3A_251, %dma_wait3A_707] : memref<32x9x128xi32, #tpu.memory_space<hbm>> -> memref<1x1x128xi32, #tpu.memory_space<hbm>>
    %dma_wait3A_709 = tpu.memref_squeeze %dma_wait3A_708 : memref<1x1x128xi32, #tpu.memory_space<hbm>> -> memref<128xi32, #tpu.memory_space<hbm>>
    tpu.wait_dma2 semaphore(%arg7 : memref<!tpu.dma_semaphore, #tpu.memory_space<semaphore_mem>>) src(%dma_wait3A_709 : memref<128xi32, #tpu.memory_space<hbm>>) dst(%dma_wait3A_706 : memref<128xi32, #tpu.memory_space<vmem>>)
    %dma_start3A_710 = arith.constant 4 : i32
    %dma_start3A_711 = arith.constant 1 : i32
    %dma_start3A_712 = arith.constant 0 : i32
    %dma_start3A_713 = arith.constant 0 : i32
    %dma_start3A_714 = tpu.memref_slice %arg6[%dma_start3A_711, %dma_start3A_712, %dma_start3A_713] : memref<3x128x128xf32, #tpu.memory_space<vmem>> -> memref<1x128x128xf32, #tpu.memory_space<vmem>>
    %dma_start3A_715 = tpu.memref_squeeze %dma_start3A_714 : memref<1x128x128xf32, #tpu.memory_space<vmem>> -> memref<128x128xf32, #tpu.memory_space<vmem>>
    %dma_start3A_716 = arith.constant 0 : i32
    %dma_start3A_717 = tpu.memref_slice %arg5[%dma_start3A_710, %dma_start3A_716] : memref<9x128xi32, #tpu.memory_space<vmem>> -> memref<1x128xi32, #tpu.memory_space<vmem>>
    %dma_start3A_718 = tpu.memref_squeeze %dma_start3A_717 : memref<1x128xi32, #tpu.memory_space<vmem>> -> memref<128xi32, #tpu.memory_space<vmem>>
    %dma_start3A_719 = arith.constant 0 : i32
    %dma_start3A_720 = arith.constant 0 : i32
    %dma_start3A_721 = tpu.memref_slice %arg2[%dma_start3A_719, %dma_start3A_720] : memref<1024x128xf32, #tpu.memory_space<hbm>> -> memref<1024x128xf32, #tpu.memory_space<hbm>>
    tpu.enqueue_indirect_dma source(%dma_start3A_721 : memref<1024x128xf32, #tpu.memory_space<hbm>>) target(%dma_start3A_715 : memref<128x128xf32, #tpu.memory_space<vmem>>) offsets(%dma_start3A_718 : memref<128xi32, #tpu.memory_space<vmem>>) semaphore(%arg8 : memref<!tpu.dma_semaphore, #tpu.memory_space<semaphore_mem>>)
    %dma_wait3A_722 = arith.constant 3 : i32
    %dma_wait3A_723 = arith.constant 0 : i32
    %dma_wait3A_724 = arith.constant 0 : i32
    %dma_wait3A_725 = arith.constant 0 : i32
    %dma_wait3A_726 = tpu.memref_slice %arg6[%dma_wait3A_723, %dma_wait3A_724, %dma_wait3A_725] : memref<3x128x128xf32, #tpu.memory_space<vmem>> -> memref<1x128x128xf32, #tpu.memory_space<vmem>>
    %dma_wait3A_727 = tpu.memref_squeeze %dma_wait3A_726 : memref<1x128x128xf32, #tpu.memory_space<vmem>> -> memref<128x128xf32, #tpu.memory_space<vmem>>
    %dma_wait3A_728 = arith.constant 0 : i32
    %dma_wait3A_729 = tpu.memref_slice %arg5[%dma_wait3A_722, %dma_wait3A_728] : memref<9x128xi32, #tpu.memory_space<vmem>> -> memref<1x128xi32, #tpu.memory_space<vmem>>
    %dma_wait3A_730 = tpu.memref_squeeze %dma_wait3A_729 : memref<1x128xi32, #tpu.memory_space<vmem>> -> memref<128xi32, #tpu.memory_space<vmem>>
    %dma_wait3A_731 = arith.constant 0 : i32
    %dma_wait3A_732 = arith.constant 0 : i32
    %dma_wait3A_733 = tpu.memref_slice %arg2[%dma_wait3A_731, %dma_wait3A_732] : memref<1024x128xf32, #tpu.memory_space<hbm>> -> memref<1024x128xf32, #tpu.memory_space<hbm>>
    tpu.wait_indirect_dma semaphore(%arg8 : memref<!tpu.dma_semaphore, #tpu.memory_space<semaphore_mem>>) src(%dma_wait3A_733 : memref<1024x128xf32, #tpu.memory_space<hbm>>) dst(%dma_wait3A_727 : memref<128x128xf32, #tpu.memory_space<vmem>>)
    %add3A_734 = arith.constant 96 : i32
    %add3A_735 = arith.addi %add3A, %add3A_734 : i32
    %mul3A_736 = arith.constant 128 : i32
    %mul3A_737 = arith.muli %add3A_735, %mul3A_736 : i32
    %dma_start3A_738 = arith.constant 0 : i32
    %dma_start3A_739 = arith.constant 0 : i32
    %dma_start3A_740 = arith.constant 0 : i32
    %dma_start3A_741 = tpu.memref_slice %arg6[%dma_start3A_738, %dma_start3A_739, %dma_start3A_740] : memref<3x128x128xf32, #tpu.memory_space<vmem>> -> memref<1x128x128xf32, #tpu.memory_space<vmem>>
    %dma_start3A_742 = tpu.memref_squeeze %dma_start3A_741 : memref<1x128x128xf32, #tpu.memory_space<vmem>> -> memref<128x128xf32, #tpu.memory_space<vmem>>
    %dma_start3A_743 = arith.constant 0 : i32
    %dma_start3A_744 = tpu.memref_slice %arg4[%mul3A_737, %dma_start3A_743] : memref<36864x128xf32, #tpu.memory_space<hbm>> -> memref<128x128xf32, #tpu.memory_space<hbm>>
    %dma_start3A_745 = arith.constant 0 : i32
    %dma_start3A_746 = tpu.memref_slice %arg4[%mul3A_737, %dma_start3A_745] : memref<36864x128xf32, #tpu.memory_space<hbm>> -> memref<128x128xf32, #tpu.memory_space<hbm>>
    %dma_start3A_747 = arith.constant 0 : i32
    %dma_start3A_748 = arith.constant 0 : i32
    %dma_start3A_749 = tpu.memref_slice %arg6[%dma_start3A_738, %dma_start3A_747, %dma_start3A_748] : memref<3x128x128xf32, #tpu.memory_space<vmem>> -> memref<1x128x128xf32, #tpu.memory_space<vmem>>
    %dma_start3A_750 = tpu.memref_squeeze %dma_start3A_749 : memref<1x128x128xf32, #tpu.memory_space<vmem>> -> memref<128x128xf32, #tpu.memory_space<vmem>>
    tpu.enqueue_dma source(%dma_start3A_750 : memref<128x128xf32, #tpu.memory_space<vmem>>) target(%dma_start3A_746 : memref<128x128xf32, #tpu.memory_space<hbm>>) target_semaphore(%arg9 : memref<!tpu.dma_semaphore, #tpu.memory_space<semaphore_mem>>)
    %dma_wait3A_751 = arith.constant 2 : i32
    %dma_wait3A_752 = arith.constant 0 : i32
    %dma_wait3A_753 = arith.constant 0 : i32
    %dma_wait3A_754 = tpu.memref_slice %arg6[%dma_wait3A_751, %dma_wait3A_752, %dma_wait3A_753] : memref<3x128x128xf32, #tpu.memory_space<vmem>> -> memref<1x128x128xf32, #tpu.memory_space<vmem>>
    %dma_wait3A_755 = tpu.memref_squeeze %dma_wait3A_754 : memref<1x128x128xf32, #tpu.memory_space<vmem>> -> memref<128x128xf32, #tpu.memory_space<vmem>>
    %dma_wait3A_756 = arith.constant 0 : i32
    %dma_wait3A_757 = tpu.memref_slice %arg4[%mul3A_670, %dma_wait3A_756] : memref<36864x128xf32, #tpu.memory_space<hbm>> -> memref<128x128xf32, #tpu.memory_space<hbm>>
    %dma_wait3A_758 = arith.constant 0 : i32
    %dma_wait3A_759 = tpu.memref_slice %arg4[%mul3A_670, %dma_wait3A_758] : memref<36864x128xf32, #tpu.memory_space<hbm>> -> memref<128x128xf32, #tpu.memory_space<hbm>>
    %dma_wait3A_760 = arith.constant 0 : i32
    %dma_wait3A_761 = arith.constant 0 : i32
    %dma_wait3A_762 = tpu.memref_slice %arg6[%dma_wait3A_751, %dma_wait3A_760, %dma_wait3A_761] : memref<3x128x128xf32, #tpu.memory_space<vmem>> -> memref<1x128x128xf32, #tpu.memory_space<vmem>>
    %dma_wait3A_763 = tpu.memref_squeeze %dma_wait3A_762 : memref<1x128x128xf32, #tpu.memory_space<vmem>> -> memref<128x128xf32, #tpu.memory_space<vmem>>
    tpu.wait_dma2 semaphore(%arg9 : memref<!tpu.dma_semaphore, #tpu.memory_space<semaphore_mem>>) src(%dma_wait3A_763 : memref<128x128xf32, #tpu.memory_space<vmem>>) dst(%dma_wait3A_759 : memref<128x128xf32, #tpu.memory_space<hbm>>)
    %dma_wait3A_764 = arith.constant 5 : i32
    %dma_wait3A_765 = arith.constant 0 : i32
    %dma_wait3A_766 = tpu.memref_slice %arg5[%dma_wait3A_764, %dma_wait3A_765] : memref<9x128xi32, #tpu.memory_space<vmem>> -> memref<1x128xi32, #tpu.memory_space<vmem>>
    %dma_wait3A_767 = tpu.memref_squeeze %dma_wait3A_766 : memref<1x128xi32, #tpu.memory_space<vmem>> -> memref<128xi32, #tpu.memory_space<vmem>>
    %dma_wait3A_768 = arith.constant 0 : i32
    %dma_wait3A_769 = tpu.memref_slice %arg3[%select_n3A_290, %select_n3A_306, %dma_wait3A_768] : memref<32x9x128xi32, #tpu.memory_space<hbm>> -> memref<1x1x128xi32, #tpu.memory_space<hbm>>
    %dma_wait3A_770 = tpu.memref_squeeze %dma_wait3A_769 : memref<1x1x128xi32, #tpu.memory_space<hbm>> -> memref<128xi32, #tpu.memory_space<hbm>>
    %dma_wait3A_771 = arith.constant 0 : i32
    %dma_wait3A_772 = tpu.memref_slice %arg5[%dma_wait3A_764, %dma_wait3A_771] : memref<9x128xi32, #tpu.memory_space<vmem>> -> memref<1x128xi32, #tpu.memory_space<vmem>>
    %dma_wait3A_773 = tpu.memref_squeeze %dma_wait3A_772 : memref<1x128xi32, #tpu.memory_space<vmem>> -> memref<128xi32, #tpu.memory_space<vmem>>
    %dma_wait3A_774 = arith.constant 0 : i32
    %dma_wait3A_775 = tpu.memref_slice %arg3[%select_n3A_290, %select_n3A_306, %dma_wait3A_774] : memref<32x9x128xi32, #tpu.memory_space<hbm>> -> memref<1x1x128xi32, #tpu.memory_space<hbm>>
    %dma_wait3A_776 = tpu.memref_squeeze %dma_wait3A_775 : memref<1x1x128xi32, #tpu.memory_space<hbm>> -> memref<128xi32, #tpu.memory_space<hbm>>
    tpu.wait_dma2 semaphore(%arg7 : memref<!tpu.dma_semaphore, #tpu.memory_space<semaphore_mem>>) src(%dma_wait3A_776 : memref<128xi32, #tpu.memory_space<hbm>>) dst(%dma_wait3A_773 : memref<128xi32, #tpu.memory_space<vmem>>)
    %dma_start3A_777 = arith.constant 5 : i32
    %dma_start3A_778 = arith.constant 2 : i32
    %dma_start3A_779 = arith.constant 0 : i32
    %dma_start3A_780 = arith.constant 0 : i32
    %dma_start3A_781 = tpu.memref_slice %arg6[%dma_start3A_778, %dma_start3A_779, %dma_start3A_780] : memref<3x128x128xf32, #tpu.memory_space<vmem>> -> memref<1x128x128xf32, #tpu.memory_space<vmem>>
    %dma_start3A_782 = tpu.memref_squeeze %dma_start3A_781 : memref<1x128x128xf32, #tpu.memory_space<vmem>> -> memref<128x128xf32, #tpu.memory_space<vmem>>
    %dma_start3A_783 = arith.constant 0 : i32
    %dma_start3A_784 = tpu.memref_slice %arg5[%dma_start3A_777, %dma_start3A_783] : memref<9x128xi32, #tpu.memory_space<vmem>> -> memref<1x128xi32, #tpu.memory_space<vmem>>
    %dma_start3A_785 = tpu.memref_squeeze %dma_start3A_784 : memref<1x128xi32, #tpu.memory_space<vmem>> -> memref<128xi32, #tpu.memory_space<vmem>>
    %dma_start3A_786 = arith.constant 0 : i32
    %dma_start3A_787 = arith.constant 0 : i32
    %dma_start3A_788 = tpu.memref_slice %arg2[%dma_start3A_786, %dma_start3A_787] : memref<1024x128xf32, #tpu.memory_space<hbm>> -> memref<1024x128xf32, #tpu.memory_space<hbm>>
    tpu.enqueue_indirect_dma source(%dma_start3A_788 : memref<1024x128xf32, #tpu.memory_space<hbm>>) target(%dma_start3A_782 : memref<128x128xf32, #tpu.memory_space<vmem>>) offsets(%dma_start3A_785 : memref<128xi32, #tpu.memory_space<vmem>>) semaphore(%arg8 : memref<!tpu.dma_semaphore, #tpu.memory_space<semaphore_mem>>)
    %dma_wait3A_789 = arith.constant 4 : i32
    %dma_wait3A_790 = arith.constant 1 : i32
    %dma_wait3A_791 = arith.constant 0 : i32
    %dma_wait3A_792 = arith.constant 0 : i32
    %dma_wait3A_793 = tpu.memref_slice %arg6[%dma_wait3A_790, %dma_wait3A_791, %dma_wait3A_792] : memref<3x128x128xf32, #tpu.memory_space<vmem>> -> memref<1x128x128xf32, #tpu.memory_space<vmem>>
    %dma_wait3A_794 = tpu.memref_squeeze %dma_wait3A_793 : memref<1x128x128xf32, #tpu.memory_space<vmem>> -> memref<128x128xf32, #tpu.memory_space<vmem>>
    %dma_wait3A_795 = arith.constant 0 : i32
    %dma_wait3A_796 = tpu.memref_slice %arg5[%dma_wait3A_789, %dma_wait3A_795] : memref<9x128xi32, #tpu.memory_space<vmem>> -> memref<1x128xi32, #tpu.memory_space<vmem>>
    %dma_wait3A_797 = tpu.memref_squeeze %dma_wait3A_796 : memref<1x128xi32, #tpu.memory_space<vmem>> -> memref<128xi32, #tpu.memory_space<vmem>>
    %dma_wait3A_798 = arith.constant 0 : i32
    %dma_wait3A_799 = arith.constant 0 : i32
    %dma_wait3A_800 = tpu.memref_slice %arg2[%dma_wait3A_798, %dma_wait3A_799] : memref<1024x128xf32, #tpu.memory_space<hbm>> -> memref<1024x128xf32, #tpu.memory_space<hbm>>
    tpu.wait_indirect_dma semaphore(%arg8 : memref<!tpu.dma_semaphore, #tpu.memory_space<semaphore_mem>>) src(%dma_wait3A_800 : memref<1024x128xf32, #tpu.memory_space<hbm>>) dst(%dma_wait3A_794 : memref<128x128xf32, #tpu.memory_space<vmem>>)
    %add3A_801 = arith.constant 128 : i32
    %add3A_802 = arith.addi %add3A, %add3A_801 : i32
    %mul3A_803 = arith.constant 128 : i32
    %mul3A_804 = arith.muli %add3A_802, %mul3A_803 : i32
    %dma_start3A_805 = arith.constant 1 : i32
    %dma_start3A_806 = arith.constant 0 : i32
    %dma_start3A_807 = arith.constant 0 : i32
    %dma_start3A_808 = tpu.memref_slice %arg6[%dma_start3A_805, %dma_start3A_806, %dma_start3A_807] : memref<3x128x128xf32, #tpu.memory_space<vmem>> -> memref<1x128x128xf32, #tpu.memory_space<vmem>>
    %dma_start3A_809 = tpu.memref_squeeze %dma_start3A_808 : memref<1x128x128xf32, #tpu.memory_space<vmem>> -> memref<128x128xf32, #tpu.memory_space<vmem>>
    %dma_start3A_810 = arith.constant 0 : i32
    %dma_start3A_811 = tpu.memref_slice %arg4[%mul3A_804, %dma_start3A_810] : memref<36864x128xf32, #tpu.memory_space<hbm>> -> memref<128x128xf32, #tpu.memory_space<hbm>>
    %dma_start3A_812 = arith.constant 0 : i32
    %dma_start3A_813 = tpu.memref_slice %arg4[%mul3A_804, %dma_start3A_812] : memref<36864x128xf32, #tpu.memory_space<hbm>> -> memref<128x128xf32, #tpu.memory_space<hbm>>
    %dma_start3A_814 = arith.constant 0 : i32
    %dma_start3A_815 = arith.constant 0 : i32
    %dma_start3A_816 = tpu.memref_slice %arg6[%dma_start3A_805, %dma_start3A_814, %dma_start3A_815] : memref<3x128x128xf32, #tpu.memory_space<vmem>> -> memref<1x128x128xf32, #tpu.memory_space<vmem>>
    %dma_start3A_817 = tpu.memref_squeeze %dma_start3A_816 : memref<1x128x128xf32, #tpu.memory_space<vmem>> -> memref<128x128xf32, #tpu.memory_space<vmem>>
    tpu.enqueue_dma source(%dma_start3A_817 : memref<128x128xf32, #tpu.memory_space<vmem>>) target(%dma_start3A_813 : memref<128x128xf32, #tpu.memory_space<hbm>>) target_semaphore(%arg9 : memref<!tpu.dma_semaphore, #tpu.memory_space<semaphore_mem>>)
    %dma_wait3A_818 = arith.constant 0 : i32
    %dma_wait3A_819 = arith.constant 0 : i32
    %dma_wait3A_820 = arith.constant 0 : i32
    %dma_wait3A_821 = tpu.memref_slice %arg6[%dma_wait3A_818, %dma_wait3A_819, %dma_wait3A_820] : memref<3x128x128xf32, #tpu.memory_space<vmem>> -> memref<1x128x128xf32, #tpu.memory_space<vmem>>
    %dma_wait3A_822 = tpu.memref_squeeze %dma_wait3A_821 : memref<1x128x128xf32, #tpu.memory_space<vmem>> -> memref<128x128xf32, #tpu.memory_space<vmem>>
    %dma_wait3A_823 = arith.constant 0 : i32
    %dma_wait3A_824 = tpu.memref_slice %arg4[%mul3A_737, %dma_wait3A_823] : memref<36864x128xf32, #tpu.memory_space<hbm>> -> memref<128x128xf32, #tpu.memory_space<hbm>>
    %dma_wait3A_825 = arith.constant 0 : i32
    %dma_wait3A_826 = tpu.memref_slice %arg4[%mul3A_737, %dma_wait3A_825] : memref<36864x128xf32, #tpu.memory_space<hbm>> -> memref<128x128xf32, #tpu.memory_space<hbm>>
    %dma_wait3A_827 = arith.constant 0 : i32
    %dma_wait3A_828 = arith.constant 0 : i32
    %dma_wait3A_829 = tpu.memref_slice %arg6[%dma_wait3A_818, %dma_wait3A_827, %dma_wait3A_828] : memref<3x128x128xf32, #tpu.memory_space<vmem>> -> memref<1x128x128xf32, #tpu.memory_space<vmem>>
    %dma_wait3A_830 = tpu.memref_squeeze %dma_wait3A_829 : memref<1x128x128xf32, #tpu.memory_space<vmem>> -> memref<128x128xf32, #tpu.memory_space<vmem>>
    tpu.wait_dma2 semaphore(%arg9 : memref<!tpu.dma_semaphore, #tpu.memory_space<semaphore_mem>>) src(%dma_wait3A_830 : memref<128x128xf32, #tpu.memory_space<vmem>>) dst(%dma_wait3A_826 : memref<128x128xf32, #tpu.memory_space<hbm>>)
    %dma_wait3A_831 = arith.constant 6 : i32
    %dma_wait3A_832 = arith.constant 0 : i32
    %dma_wait3A_833 = tpu.memref_slice %arg5[%dma_wait3A_831, %dma_wait3A_832] : memref<9x128xi32, #tpu.memory_space<vmem>> -> memref<1x128xi32, #tpu.memory_space<vmem>>
    %dma_wait3A_834 = tpu.memref_squeeze %dma_wait3A_833 : memref<1x128xi32, #tpu.memory_space<vmem>> -> memref<128xi32, #tpu.memory_space<vmem>>
    %dma_wait3A_835 = arith.constant 0 : i32
    %dma_wait3A_836 = tpu.memref_slice %arg3[%select_n3A_345, %select_n3A_361, %dma_wait3A_835] : memref<32x9x128xi32, #tpu.memory_space<hbm>> -> memref<1x1x128xi32, #tpu.memory_space<hbm>>
    %dma_wait3A_837 = tpu.memref_squeeze %dma_wait3A_836 : memref<1x1x128xi32, #tpu.memory_space<hbm>> -> memref<128xi32, #tpu.memory_space<hbm>>
    %dma_wait3A_838 = arith.constant 0 : i32
    %dma_wait3A_839 = tpu.memref_slice %arg5[%dma_wait3A_831, %dma_wait3A_838] : memref<9x128xi32, #tpu.memory_space<vmem>> -> memref<1x128xi32, #tpu.memory_space<vmem>>
    %dma_wait3A_840 = tpu.memref_squeeze %dma_wait3A_839 : memref<1x128xi32, #tpu.memory_space<vmem>> -> memref<128xi32, #tpu.memory_space<vmem>>
    %dma_wait3A_841 = arith.constant 0 : i32
    %dma_wait3A_842 = tpu.memref_slice %arg3[%select_n3A_345, %select_n3A_361, %dma_wait3A_841] : memref<32x9x128xi32, #tpu.memory_space<hbm>> -> memref<1x1x128xi32, #tpu.memory_space<hbm>>
    %dma_wait3A_843 = tpu.memref_squeeze %dma_wait3A_842 : memref<1x1x128xi32, #tpu.memory_space<hbm>> -> memref<128xi32, #tpu.memory_space<hbm>>
    tpu.wait_dma2 semaphore(%arg7 : memref<!tpu.dma_semaphore, #tpu.memory_space<semaphore_mem>>) src(%dma_wait3A_843 : memref<128xi32, #tpu.memory_space<hbm>>) dst(%dma_wait3A_840 : memref<128xi32, #tpu.memory_space<vmem>>)
    %dma_start3A_844 = arith.constant 6 : i32
    %dma_start3A_845 = arith.constant 0 : i32
    %dma_start3A_846 = arith.constant 0 : i32
    %dma_start3A_847 = arith.constant 0 : i32
    %dma_start3A_848 = tpu.memref_slice %arg6[%dma_start3A_845, %dma_start3A_846, %dma_start3A_847] : memref<3x128x128xf32, #tpu.memory_space<vmem>> -> memref<1x128x128xf32, #tpu.memory_space<vmem>>
    %dma_start3A_849 = tpu.memref_squeeze %dma_start3A_848 : memref<1x128x128xf32, #tpu.memory_space<vmem>> -> memref<128x128xf32, #tpu.memory_space<vmem>>
    %dma_start3A_850 = arith.constant 0 : i32
    %dma_start3A_851 = tpu.memref_slice %arg5[%dma_start3A_844, %dma_start3A_850] : memref<9x128xi32, #tpu.memory_space<vmem>> -> memref<1x128xi32, #tpu.memory_space<vmem>>
    %dma_start3A_852 = tpu.memref_squeeze %dma_start3A_851 : memref<1x128xi32, #tpu.memory_space<vmem>> -> memref<128xi32, #tpu.memory_space<vmem>>
    %dma_start3A_853 = arith.constant 0 : i32
    %dma_start3A_854 = arith.constant 0 : i32
    %dma_start3A_855 = tpu.memref_slice %arg2[%dma_start3A_853, %dma_start3A_854] : memref<1024x128xf32, #tpu.memory_space<hbm>> -> memref<1024x128xf32, #tpu.memory_space<hbm>>
    tpu.enqueue_indirect_dma source(%dma_start3A_855 : memref<1024x128xf32, #tpu.memory_space<hbm>>) target(%dma_start3A_849 : memref<128x128xf32, #tpu.memory_space<vmem>>) offsets(%dma_start3A_852 : memref<128xi32, #tpu.memory_space<vmem>>) semaphore(%arg8 : memref<!tpu.dma_semaphore, #tpu.memory_space<semaphore_mem>>)
    %dma_wait3A_856 = arith.constant 5 : i32
    %dma_wait3A_857 = arith.constant 2 : i32
    %dma_wait3A_858 = arith.constant 0 : i32
    %dma_wait3A_859 = arith.constant 0 : i32
    %dma_wait3A_860 = tpu.memref_slice %arg6[%dma_wait3A_857, %dma_wait3A_858, %dma_wait3A_859] : memref<3x128x128xf32, #tpu.memory_space<vmem>> -> memref<1x128x128xf32, #tpu.memory_space<vmem>>
    %dma_wait3A_861 = tpu.memref_squeeze %dma_wait3A_860 : memref<1x128x128xf32, #tpu.memory_space<vmem>> -> memref<128x128xf32, #tpu.memory_space<vmem>>
    %dma_wait3A_862 = arith.constant 0 : i32
    %dma_wait3A_863 = tpu.memref_slice %arg5[%dma_wait3A_856, %dma_wait3A_862] : memref<9x128xi32, #tpu.memory_space<vmem>> -> memref<1x128xi32, #tpu.memory_space<vmem>>
    %dma_wait3A_864 = tpu.memref_squeeze %dma_wait3A_863 : memref<1x128xi32, #tpu.memory_space<vmem>> -> memref<128xi32, #tpu.memory_space<vmem>>
    %dma_wait3A_865 = arith.constant 0 : i32
    %dma_wait3A_866 = arith.constant 0 : i32
    %dma_wait3A_867 = tpu.memref_slice %arg2[%dma_wait3A_865, %dma_wait3A_866] : memref<1024x128xf32, #tpu.memory_space<hbm>> -> memref<1024x128xf32, #tpu.memory_space<hbm>>
    tpu.wait_indirect_dma semaphore(%arg8 : memref<!tpu.dma_semaphore, #tpu.memory_space<semaphore_mem>>) src(%dma_wait3A_867 : memref<1024x128xf32, #tpu.memory_space<hbm>>) dst(%dma_wait3A_861 : memref<128x128xf32, #tpu.memory_space<vmem>>)
    %add3A_868 = arith.constant 160 : i32
    %add3A_869 = arith.addi %add3A, %add3A_868 : i32
    %mul3A_870 = arith.constant 128 : i32
    %mul3A_871 = arith.muli %add3A_869, %mul3A_870 : i32
    %dma_start3A_872 = arith.constant 2 : i32
    %dma_start3A_873 = arith.constant 0 : i32
    %dma_start3A_874 = arith.constant 0 : i32
    %dma_start3A_875 = tpu.memref_slice %arg6[%dma_start3A_872, %dma_start3A_873, %dma_start3A_874] : memref<3x128x128xf32, #tpu.memory_space<vmem>> -> memref<1x128x128xf32, #tpu.memory_space<vmem>>
    %dma_start3A_876 = tpu.memref_squeeze %dma_start3A_875 : memref<1x128x128xf32, #tpu.memory_space<vmem>> -> memref<128x128xf32, #tpu.memory_space<vmem>>
    %dma_start3A_877 = arith.constant 0 : i32
    %dma_start3A_878 = tpu.memref_slice %arg4[%mul3A_871, %dma_start3A_877] : memref<36864x128xf32, #tpu.memory_space<hbm>> -> memref<128x128xf32, #tpu.memory_space<hbm>>
    %dma_start3A_879 = arith.constant 0 : i32
    %dma_start3A_880 = tpu.memref_slice %arg4[%mul3A_871, %dma_start3A_879] : memref<36864x128xf32, #tpu.memory_space<hbm>> -> memref<128x128xf32, #tpu.memory_space<hbm>>
    %dma_start3A_881 = arith.constant 0 : i32
    %dma_start3A_882 = arith.constant 0 : i32
    %dma_start3A_883 = tpu.memref_slice %arg6[%dma_start3A_872, %dma_start3A_881, %dma_start3A_882] : memref<3x128x128xf32, #tpu.memory_space<vmem>> -> memref<1x128x128xf32, #tpu.memory_space<vmem>>
    %dma_start3A_884 = tpu.memref_squeeze %dma_start3A_883 : memref<1x128x128xf32, #tpu.memory_space<vmem>> -> memref<128x128xf32, #tpu.memory_space<vmem>>
    tpu.enqueue_dma source(%dma_start3A_884 : memref<128x128xf32, #tpu.memory_space<vmem>>) target(%dma_start3A_880 : memref<128x128xf32, #tpu.memory_space<hbm>>) target_semaphore(%arg9 : memref<!tpu.dma_semaphore, #tpu.memory_space<semaphore_mem>>)
    %dma_wait3A_885 = arith.constant 1 : i32
    %dma_wait3A_886 = arith.constant 0 : i32
    %dma_wait3A_887 = arith.constant 0 : i32
    %dma_wait3A_888 = tpu.memref_slice %arg6[%dma_wait3A_885, %dma_wait3A_886, %dma_wait3A_887] : memref<3x128x128xf32, #tpu.memory_space<vmem>> -> memref<1x128x128xf32, #tpu.memory_space<vmem>>
    %dma_wait3A_889 = tpu.memref_squeeze %dma_wait3A_888 : memref<1x128x128xf32, #tpu.memory_space<vmem>> -> memref<128x128xf32, #tpu.memory_space<vmem>>
    %dma_wait3A_890 = arith.constant 0 : i32
    %dma_wait3A_891 = tpu.memref_slice %arg4[%mul3A_804, %dma_wait3A_890] : memref<36864x128xf32, #tpu.memory_space<hbm>> -> memref<128x128xf32, #tpu.memory_space<hbm>>
    %dma_wait3A_892 = arith.constant 0 : i32
    %dma_wait3A_893 = tpu.memref_slice %arg4[%mul3A_804, %dma_wait3A_892] : memref<36864x128xf32, #tpu.memory_space<hbm>> -> memref<128x128xf32, #tpu.memory_space<hbm>>
    %dma_wait3A_894 = arith.constant 0 : i32
    %dma_wait3A_895 = arith.constant 0 : i32
    %dma_wait3A_896 = tpu.memref_slice %arg6[%dma_wait3A_885, %dma_wait3A_894, %dma_wait3A_895] : memref<3x128x128xf32, #tpu.memory_space<vmem>> -> memref<1x128x128xf32, #tpu.memory_space<vmem>>
    %dma_wait3A_897 = tpu.memref_squeeze %dma_wait3A_896 : memref<1x128x128xf32, #tpu.memory_space<vmem>> -> memref<128x128xf32, #tpu.memory_space<vmem>>
    tpu.wait_dma2 semaphore(%arg9 : memref<!tpu.dma_semaphore, #tpu.memory_space<semaphore_mem>>) src(%dma_wait3A_897 : memref<128x128xf32, #tpu.memory_space<vmem>>) dst(%dma_wait3A_893 : memref<128x128xf32, #tpu.memory_space<hbm>>)
    %dma_wait3A_898 = arith.constant 7 : i32
    %dma_wait3A_899 = arith.constant 0 : i32
    %dma_wait3A_900 = tpu.memref_slice %arg5[%dma_wait3A_898, %dma_wait3A_899] : memref<9x128xi32, #tpu.memory_space<vmem>> -> memref<1x128xi32, #tpu.memory_space<vmem>>
    %dma_wait3A_901 = tpu.memref_squeeze %dma_wait3A_900 : memref<1x128xi32, #tpu.memory_space<vmem>> -> memref<128xi32, #tpu.memory_space<vmem>>
    %dma_wait3A_902 = arith.constant 0 : i32
    %dma_wait3A_903 = tpu.memref_slice %arg3[%select_n3A_400, %select_n3A_416, %dma_wait3A_902] : memref<32x9x128xi32, #tpu.memory_space<hbm>> -> memref<1x1x128xi32, #tpu.memory_space<hbm>>
    %dma_wait3A_904 = tpu.memref_squeeze %dma_wait3A_903 : memref<1x1x128xi32, #tpu.memory_space<hbm>> -> memref<128xi32, #tpu.memory_space<hbm>>
    %dma_wait3A_905 = arith.constant 0 : i32
    %dma_wait3A_906 = tpu.memref_slice %arg5[%dma_wait3A_898, %dma_wait3A_905] : memref<9x128xi32, #tpu.memory_space<vmem>> -> memref<1x128xi32, #tpu.memory_space<vmem>>
    %dma_wait3A_907 = tpu.memref_squeeze %dma_wait3A_906 : memref<1x128xi32, #tpu.memory_space<vmem>> -> memref<128xi32, #tpu.memory_space<vmem>>
    %dma_wait3A_908 = arith.constant 0 : i32
    %dma_wait3A_909 = tpu.memref_slice %arg3[%select_n3A_400, %select_n3A_416, %dma_wait3A_908] : memref<32x9x128xi32, #tpu.memory_space<hbm>> -> memref<1x1x128xi32, #tpu.memory_space<hbm>>
    %dma_wait3A_910 = tpu.memref_squeeze %dma_wait3A_909 : memref<1x1x128xi32, #tpu.memory_space<hbm>> -> memref<128xi32, #tpu.memory_space<hbm>>
    tpu.wait_dma2 semaphore(%arg7 : memref<!tpu.dma_semaphore, #tpu.memory_space<semaphore_mem>>) src(%dma_wait3A_910 : memref<128xi32, #tpu.memory_space<hbm>>) dst(%dma_wait3A_907 : memref<128xi32, #tpu.memory_space<vmem>>)
    %dma_start3A_911 = arith.constant 7 : i32
    %dma_start3A_912 = arith.constant 1 : i32
    %dma_start3A_913 = arith.constant 0 : i32
    %dma_start3A_914 = arith.constant 0 : i32
    %dma_start3A_915 = tpu.memref_slice %arg6[%dma_start3A_912, %dma_start3A_913, %dma_start3A_914] : memref<3x128x128xf32, #tpu.memory_space<vmem>> -> memref<1x128x128xf32, #tpu.memory_space<vmem>>
    %dma_start3A_916 = tpu.memref_squeeze %dma_start3A_915 : memref<1x128x128xf32, #tpu.memory_space<vmem>> -> memref<128x128xf32, #tpu.memory_space<vmem>>
    %dma_start3A_917 = arith.constant 0 : i32
    %dma_start3A_918 = tpu.memref_slice %arg5[%dma_start3A_911, %dma_start3A_917] : memref<9x128xi32, #tpu.memory_space<vmem>> -> memref<1x128xi32, #tpu.memory_space<vmem>>
    %dma_start3A_919 = tpu.memref_squeeze %dma_start3A_918 : memref<1x128xi32, #tpu.memory_space<vmem>> -> memref<128xi32, #tpu.memory_space<vmem>>
    %dma_start3A_920 = arith.constant 0 : i32
    %dma_start3A_921 = arith.constant 0 : i32
    %dma_start3A_922 = tpu.memref_slice %arg2[%dma_start3A_920, %dma_start3A_921] : memref<1024x128xf32, #tpu.memory_space<hbm>> -> memref<1024x128xf32, #tpu.memory_space<hbm>>
    tpu.enqueue_indirect_dma source(%dma_start3A_922 : memref<1024x128xf32, #tpu.memory_space<hbm>>) target(%dma_start3A_916 : memref<128x128xf32, #tpu.memory_space<vmem>>) offsets(%dma_start3A_919 : memref<128xi32, #tpu.memory_space<vmem>>) semaphore(%arg8 : memref<!tpu.dma_semaphore, #tpu.memory_space<semaphore_mem>>)
    %dma_wait3A_923 = arith.constant 6 : i32
    %dma_wait3A_924 = arith.constant 0 : i32
    %dma_wait3A_925 = arith.constant 0 : i32
    %dma_wait3A_926 = arith.constant 0 : i32
    %dma_wait3A_927 = tpu.memref_slice %arg6[%dma_wait3A_924, %dma_wait3A_925, %dma_wait3A_926] : memref<3x128x128xf32, #tpu.memory_space<vmem>> -> memref<1x128x128xf32, #tpu.memory_space<vmem>>
    %dma_wait3A_928 = tpu.memref_squeeze %dma_wait3A_927 : memref<1x128x128xf32, #tpu.memory_space<vmem>> -> memref<128x128xf32, #tpu.memory_space<vmem>>
    %dma_wait3A_929 = arith.constant 0 : i32
    %dma_wait3A_930 = tpu.memref_slice %arg5[%dma_wait3A_923, %dma_wait3A_929] : memref<9x128xi32, #tpu.memory_space<vmem>> -> memref<1x128xi32, #tpu.memory_space<vmem>>
    %dma_wait3A_931 = tpu.memref_squeeze %dma_wait3A_930 : memref<1x128xi32, #tpu.memory_space<vmem>> -> memref<128xi32, #tpu.memory_space<vmem>>
    %dma_wait3A_932 = arith.constant 0 : i32
    %dma_wait3A_933 = arith.constant 0 : i32
    %dma_wait3A_934 = tpu.memref_slice %arg2[%dma_wait3A_932, %dma_wait3A_933] : memref<1024x128xf32, #tpu.memory_space<hbm>> -> memref<1024x128xf32, #tpu.memory_space<hbm>>
    tpu.wait_indirect_dma semaphore(%arg8 : memref<!tpu.dma_semaphore, #tpu.memory_space<semaphore_mem>>) src(%dma_wait3A_934 : memref<1024x128xf32, #tpu.memory_space<hbm>>) dst(%dma_wait3A_928 : memref<128x128xf32, #tpu.memory_space<vmem>>)
    %add3A_935 = arith.constant 192 : i32
    %add3A_936 = arith.addi %add3A, %add3A_935 : i32
    %mul3A_937 = arith.constant 128 : i32
    %mul3A_938 = arith.muli %add3A_936, %mul3A_937 : i32
    %dma_start3A_939 = arith.constant 0 : i32
    %dma_start3A_940 = arith.constant 0 : i32
    %dma_start3A_941 = arith.constant 0 : i32
    %dma_start3A_942 = tpu.memref_slice %arg6[%dma_start3A_939, %dma_start3A_940, %dma_start3A_941] : memref<3x128x128xf32, #tpu.memory_space<vmem>> -> memref<1x128x128xf32, #tpu.memory_space<vmem>>
    %dma_start3A_943 = tpu.memref_squeeze %dma_start3A_942 : memref<1x128x128xf32, #tpu.memory_space<vmem>> -> memref<128x128xf32, #tpu.memory_space<vmem>>
    %dma_start3A_944 = arith.constant 0 : i32
    %dma_start3A_945 = tpu.memref_slice %arg4[%mul3A_938, %dma_start3A_944] : memref<36864x128xf32, #tpu.memory_space<hbm>> -> memref<128x128xf32, #tpu.memory_space<hbm>>
    %dma_start3A_946 = arith.constant 0 : i32
    %dma_start3A_947 = tpu.memref_slice %arg4[%mul3A_938, %dma_start3A_946] : memref<36864x128xf32, #tpu.memory_space<hbm>> -> memref<128x128xf32, #tpu.memory_space<hbm>>
    %dma_start3A_948 = arith.constant 0 : i32
    %dma_start3A_949 = arith.constant 0 : i32
    %dma_start3A_950 = tpu.memref_slice %arg6[%dma_start3A_939, %dma_start3A_948, %dma_start3A_949] : memref<3x128x128xf32, #tpu.memory_space<vmem>> -> memref<1x128x128xf32, #tpu.memory_space<vmem>>
    %dma_start3A_951 = tpu.memref_squeeze %dma_start3A_950 : memref<1x128x128xf32, #tpu.memory_space<vmem>> -> memref<128x128xf32, #tpu.memory_space<vmem>>
    tpu.enqueue_dma source(%dma_start3A_951 : memref<128x128xf32, #tpu.memory_space<vmem>>) target(%dma_start3A_947 : memref<128x128xf32, #tpu.memory_space<hbm>>) target_semaphore(%arg9 : memref<!tpu.dma_semaphore, #tpu.memory_space<semaphore_mem>>)
    %dma_wait3A_952 = arith.constant 2 : i32
    %dma_wait3A_953 = arith.constant 0 : i32
    %dma_wait3A_954 = arith.constant 0 : i32
    %dma_wait3A_955 = tpu.memref_slice %arg6[%dma_wait3A_952, %dma_wait3A_953, %dma_wait3A_954] : memref<3x128x128xf32, #tpu.memory_space<vmem>> -> memref<1x128x128xf32, #tpu.memory_space<vmem>>
    %dma_wait3A_956 = tpu.memref_squeeze %dma_wait3A_955 : memref<1x128x128xf32, #tpu.memory_space<vmem>> -> memref<128x128xf32, #tpu.memory_space<vmem>>
    %dma_wait3A_957 = arith.constant 0 : i32
    %dma_wait3A_958 = tpu.memref_slice %arg4[%mul3A_871, %dma_wait3A_957] : memref<36864x128xf32, #tpu.memory_space<hbm>> -> memref<128x128xf32, #tpu.memory_space<hbm>>
    %dma_wait3A_959 = arith.constant 0 : i32
    %dma_wait3A_960 = tpu.memref_slice %arg4[%mul3A_871, %dma_wait3A_959] : memref<36864x128xf32, #tpu.memory_space<hbm>> -> memref<128x128xf32, #tpu.memory_space<hbm>>
    %dma_wait3A_961 = arith.constant 0 : i32
    %dma_wait3A_962 = arith.constant 0 : i32
    %dma_wait3A_963 = tpu.memref_slice %arg6[%dma_wait3A_952, %dma_wait3A_961, %dma_wait3A_962] : memref<3x128x128xf32, #tpu.memory_space<vmem>> -> memref<1x128x128xf32, #tpu.memory_space<vmem>>
    %dma_wait3A_964 = tpu.memref_squeeze %dma_wait3A_963 : memref<1x128x128xf32, #tpu.memory_space<vmem>> -> memref<128x128xf32, #tpu.memory_space<vmem>>
    tpu.wait_dma2 semaphore(%arg9 : memref<!tpu.dma_semaphore, #tpu.memory_space<semaphore_mem>>) src(%dma_wait3A_964 : memref<128x128xf32, #tpu.memory_space<vmem>>) dst(%dma_wait3A_960 : memref<128x128xf32, #tpu.memory_space<hbm>>)
    %dma_wait3A_965 = arith.constant 8 : i32
    %dma_wait3A_966 = arith.constant 0 : i32
    %dma_wait3A_967 = tpu.memref_slice %arg5[%dma_wait3A_965, %dma_wait3A_966] : memref<9x128xi32, #tpu.memory_space<vmem>> -> memref<1x128xi32, #tpu.memory_space<vmem>>
    %dma_wait3A_968 = tpu.memref_squeeze %dma_wait3A_967 : memref<1x128xi32, #tpu.memory_space<vmem>> -> memref<128xi32, #tpu.memory_space<vmem>>
    %dma_wait3A_969 = arith.constant 0 : i32
    %dma_wait3A_970 = tpu.memref_slice %arg3[%select_n3A_455, %select_n3A_471, %dma_wait3A_969] : memref<32x9x128xi32, #tpu.memory_space<hbm>> -> memref<1x1x128xi32, #tpu.memory_space<hbm>>
    %dma_wait3A_971 = tpu.memref_squeeze %dma_wait3A_970 : memref<1x1x128xi32, #tpu.memory_space<hbm>> -> memref<128xi32, #tpu.memory_space<hbm>>
    %dma_wait3A_972 = arith.constant 0 : i32
    %dma_wait3A_973 = tpu.memref_slice %arg5[%dma_wait3A_965, %dma_wait3A_972] : memref<9x128xi32, #tpu.memory_space<vmem>> -> memref<1x128xi32, #tpu.memory_space<vmem>>
    %dma_wait3A_974 = tpu.memref_squeeze %dma_wait3A_973 : memref<1x128xi32, #tpu.memory_space<vmem>> -> memref<128xi32, #tpu.memory_space<vmem>>
    %dma_wait3A_975 = arith.constant 0 : i32
    %dma_wait3A_976 = tpu.memref_slice %arg3[%select_n3A_455, %select_n3A_471, %dma_wait3A_975] : memref<32x9x128xi32, #tpu.memory_space<hbm>> -> memref<1x1x128xi32, #tpu.memory_space<hbm>>
    %dma_wait3A_977 = tpu.memref_squeeze %dma_wait3A_976 : memref<1x1x128xi32, #tpu.memory_space<hbm>> -> memref<128xi32, #tpu.memory_space<hbm>>
    tpu.wait_dma2 semaphore(%arg7 : memref<!tpu.dma_semaphore, #tpu.memory_space<semaphore_mem>>) src(%dma_wait3A_977 : memref<128xi32, #tpu.memory_space<hbm>>) dst(%dma_wait3A_974 : memref<128xi32, #tpu.memory_space<vmem>>)
    %dma_start3A_978 = arith.constant 8 : i32
    %dma_start3A_979 = arith.constant 2 : i32
    %dma_start3A_980 = arith.constant 0 : i32
    %dma_start3A_981 = arith.constant 0 : i32
    %dma_start3A_982 = tpu.memref_slice %arg6[%dma_start3A_979, %dma_start3A_980, %dma_start3A_981] : memref<3x128x128xf32, #tpu.memory_space<vmem>> -> memref<1x128x128xf32, #tpu.memory_space<vmem>>
    %dma_start3A_983 = tpu.memref_squeeze %dma_start3A_982 : memref<1x128x128xf32, #tpu.memory_space<vmem>> -> memref<128x128xf32, #tpu.memory_space<vmem>>
    %dma_start3A_984 = arith.constant 0 : i32
    %dma_start3A_985 = tpu.memref_slice %arg5[%dma_start3A_978, %dma_start3A_984] : memref<9x128xi32, #tpu.memory_space<vmem>> -> memref<1x128xi32, #tpu.memory_space<vmem>>
    %dma_start3A_986 = tpu.memref_squeeze %dma_start3A_985 : memref<1x128xi32, #tpu.memory_space<vmem>> -> memref<128xi32, #tpu.memory_space<vmem>>
    %dma_start3A_987 = arith.constant 0 : i32
    %dma_start3A_988 = arith.constant 0 : i32
    %dma_start3A_989 = tpu.memref_slice %arg2[%dma_start3A_987, %dma_start3A_988] : memref<1024x128xf32, #tpu.memory_space<hbm>> -> memref<1024x128xf32, #tpu.memory_space<hbm>>
    tpu.enqueue_indirect_dma source(%dma_start3A_989 : memref<1024x128xf32, #tpu.memory_space<hbm>>) target(%dma_start3A_983 : memref<128x128xf32, #tpu.memory_space<vmem>>) offsets(%dma_start3A_986 : memref<128xi32, #tpu.memory_space<vmem>>) semaphore(%arg8 : memref<!tpu.dma_semaphore, #tpu.memory_space<semaphore_mem>>)
    %dma_wait3A_990 = arith.constant 7 : i32
    %dma_wait3A_991 = arith.constant 1 : i32
    %dma_wait3A_992 = arith.constant 0 : i32
    %dma_wait3A_993 = arith.constant 0 : i32
    %dma_wait3A_994 = tpu.memref_slice %arg6[%dma_wait3A_991, %dma_wait3A_992, %dma_wait3A_993] : memref<3x128x128xf32, #tpu.memory_space<vmem>> -> memref<1x128x128xf32, #tpu.memory_space<vmem>>
    %dma_wait3A_995 = tpu.memref_squeeze %dma_wait3A_994 : memref<1x128x128xf32, #tpu.memory_space<vmem>> -> memref<128x128xf32, #tpu.memory_space<vmem>>
    %dma_wait3A_996 = arith.constant 0 : i32
    %dma_wait3A_997 = tpu.memref_slice %arg5[%dma_wait3A_990, %dma_wait3A_996] : memref<9x128xi32, #tpu.memory_space<vmem>> -> memref<1x128xi32, #tpu.memory_space<vmem>>
    %dma_wait3A_998 = tpu.memref_squeeze %dma_wait3A_997 : memref<1x128xi32, #tpu.memory_space<vmem>> -> memref<128xi32, #tpu.memory_space<vmem>>
    %dma_wait3A_999 = arith.constant 0 : i32
    %dma_wait3A_1000 = arith.constant 0 : i32
    %dma_wait3A_1001 = tpu.memref_slice %arg2[%dma_wait3A_999, %dma_wait3A_1000] : memref<1024x128xf32, #tpu.memory_space<hbm>> -> memref<1024x128xf32, #tpu.memory_space<hbm>>
    tpu.wait_indirect_dma semaphore(%arg8 : memref<!tpu.dma_semaphore, #tpu.memory_space<semaphore_mem>>) src(%dma_wait3A_1001 : memref<1024x128xf32, #tpu.memory_space<hbm>>) dst(%dma_wait3A_995 : memref<128x128xf32, #tpu.memory_space<vmem>>)
    %add3A_1002 = arith.constant 224 : i32
    %add3A_1003 = arith.addi %add3A, %add3A_1002 : i32
    %mul3A_1004 = arith.constant 128 : i32
    %mul3A_1005 = arith.muli %add3A_1003, %mul3A_1004 : i32
    %dma_start3A_1006 = arith.constant 1 : i32
    %dma_start3A_1007 = arith.constant 0 : i32
    %dma_start3A_1008 = arith.constant 0 : i32
    %dma_start3A_1009 = tpu.memref_slice %arg6[%dma_start3A_1006, %dma_start3A_1007, %dma_start3A_1008] : memref<3x128x128xf32, #tpu.memory_space<vmem>> -> memref<1x128x128xf32, #tpu.memory_space<vmem>>
    %dma_start3A_1010 = tpu.memref_squeeze %dma_start3A_1009 : memref<1x128x128xf32, #tpu.memory_space<vmem>> -> memref<128x128xf32, #tpu.memory_space<vmem>>
    %dma_start3A_1011 = arith.constant 0 : i32
    %dma_start3A_1012 = tpu.memref_slice %arg4[%mul3A_1005, %dma_start3A_1011] : memref<36864x128xf32, #tpu.memory_space<hbm>> -> memref<128x128xf32, #tpu.memory_space<hbm>>
    %dma_start3A_1013 = arith.constant 0 : i32
    %dma_start3A_1014 = tpu.memref_slice %arg4[%mul3A_1005, %dma_start3A_1013] : memref<36864x128xf32, #tpu.memory_space<hbm>> -> memref<128x128xf32, #tpu.memory_space<hbm>>
    %dma_start3A_1015 = arith.constant 0 : i32
    %dma_start3A_1016 = arith.constant 0 : i32
    %dma_start3A_1017 = tpu.memref_slice %arg6[%dma_start3A_1006, %dma_start3A_1015, %dma_start3A_1016] : memref<3x128x128xf32, #tpu.memory_space<vmem>> -> memref<1x128x128xf32, #tpu.memory_space<vmem>>
    %dma_start3A_1018 = tpu.memref_squeeze %dma_start3A_1017 : memref<1x128x128xf32, #tpu.memory_space<vmem>> -> memref<128x128xf32, #tpu.memory_space<vmem>>
    tpu.enqueue_dma source(%dma_start3A_1018 : memref<128x128xf32, #tpu.memory_space<vmem>>) target(%dma_start3A_1014 : memref<128x128xf32, #tpu.memory_space<hbm>>) target_semaphore(%arg9 : memref<!tpu.dma_semaphore, #tpu.memory_space<semaphore_mem>>)
    %dma_wait3A_1019 = arith.constant 8 : i32
    %dma_wait3A_1020 = arith.constant 2 : i32
    %dma_wait3A_1021 = arith.constant 0 : i32
    %dma_wait3A_1022 = arith.constant 0 : i32
    %dma_wait3A_1023 = tpu.memref_slice %arg6[%dma_wait3A_1020, %dma_wait3A_1021, %dma_wait3A_1022] : memref<3x128x128xf32, #tpu.memory_space<vmem>> -> memref<1x128x128xf32, #tpu.memory_space<vmem>>
    %dma_wait3A_1024 = tpu.memref_squeeze %dma_wait3A_1023 : memref<1x128x128xf32, #tpu.memory_space<vmem>> -> memref<128x128xf32, #tpu.memory_space<vmem>>
    %dma_wait3A_1025 = arith.constant 0 : i32
    %dma_wait3A_1026 = tpu.memref_slice %arg5[%dma_wait3A_1019, %dma_wait3A_1025] : memref<9x128xi32, #tpu.memory_space<vmem>> -> memref<1x128xi32, #tpu.memory_space<vmem>>
    %dma_wait3A_1027 = tpu.memref_squeeze %dma_wait3A_1026 : memref<1x128xi32, #tpu.memory_space<vmem>> -> memref<128xi32, #tpu.memory_space<vmem>>
    %dma_wait3A_1028 = arith.constant 0 : i32
    %dma_wait3A_1029 = arith.constant 0 : i32
    %dma_wait3A_1030 = tpu.memref_slice %arg2[%dma_wait3A_1028, %dma_wait3A_1029] : memref<1024x128xf32, #tpu.memory_space<hbm>> -> memref<1024x128xf32, #tpu.memory_space<hbm>>
    tpu.wait_indirect_dma semaphore(%arg8 : memref<!tpu.dma_semaphore, #tpu.memory_space<semaphore_mem>>) src(%dma_wait3A_1030 : memref<1024x128xf32, #tpu.memory_space<hbm>>) dst(%dma_wait3A_1024 : memref<128x128xf32, #tpu.memory_space<vmem>>)
    %add3A_1031 = arith.constant 256 : i32
    %add3A_1032 = arith.addi %add3A, %add3A_1031 : i32
    %mul3A_1033 = arith.constant 128 : i32
    %mul3A_1034 = arith.muli %add3A_1032, %mul3A_1033 : i32
    %dma_start3A_1035 = arith.constant 2 : i32
    %dma_start3A_1036 = arith.constant 0 : i32
    %dma_start3A_1037 = arith.constant 0 : i32
    %dma_start3A_1038 = tpu.memref_slice %arg6[%dma_start3A_1035, %dma_start3A_1036, %dma_start3A_1037] : memref<3x128x128xf32, #tpu.memory_space<vmem>> -> memref<1x128x128xf32, #tpu.memory_space<vmem>>
    %dma_start3A_1039 = tpu.memref_squeeze %dma_start3A_1038 : memref<1x128x128xf32, #tpu.memory_space<vmem>> -> memref<128x128xf32, #tpu.memory_space<vmem>>
    %dma_start3A_1040 = arith.constant 0 : i32
    %dma_start3A_1041 = tpu.memref_slice %arg4[%mul3A_1034, %dma_start3A_1040] : memref<36864x128xf32, #tpu.memory_space<hbm>> -> memref<128x128xf32, #tpu.memory_space<hbm>>
    %dma_start3A_1042 = arith.constant 0 : i32
    %dma_start3A_1043 = tpu.memref_slice %arg4[%mul3A_1034, %dma_start3A_1042] : memref<36864x128xf32, #tpu.memory_space<hbm>> -> memref<128x128xf32, #tpu.memory_space<hbm>>
    %dma_start3A_1044 = arith.constant 0 : i32
    %dma_start3A_1045 = arith.constant 0 : i32
    %dma_start3A_1046 = tpu.memref_slice %arg6[%dma_start3A_1035, %dma_start3A_1044, %dma_start3A_1045] : memref<3x128x128xf32, #tpu.memory_space<vmem>> -> memref<1x128x128xf32, #tpu.memory_space<vmem>>
    %dma_start3A_1047 = tpu.memref_squeeze %dma_start3A_1046 : memref<1x128x128xf32, #tpu.memory_space<vmem>> -> memref<128x128xf32, #tpu.memory_space<vmem>>
    tpu.enqueue_dma source(%dma_start3A_1047 : memref<128x128xf32, #tpu.memory_space<vmem>>) target(%dma_start3A_1043 : memref<128x128xf32, #tpu.memory_space<hbm>>) target_semaphore(%arg9 : memref<!tpu.dma_semaphore, #tpu.memory_space<semaphore_mem>>)
    %dma_wait3A_1048 = arith.constant 0 : i32
    %dma_wait3A_1049 = arith.constant 0 : i32
    %dma_wait3A_1050 = arith.constant 0 : i32
    %dma_wait3A_1051 = tpu.memref_slice %arg6[%dma_wait3A_1048, %dma_wait3A_1049, %dma_wait3A_1050] : memref<3x128x128xf32, #tpu.memory_space<vmem>> -> memref<1x128x128xf32, #tpu.memory_space<vmem>>
    %dma_wait3A_1052 = tpu.memref_squeeze %dma_wait3A_1051 : memref<1x128x128xf32, #tpu.memory_space<vmem>> -> memref<128x128xf32, #tpu.memory_space<vmem>>
    %dma_wait3A_1053 = arith.constant 0 : i32
    %dma_wait3A_1054 = tpu.memref_slice %arg4[%mul3A_938, %dma_wait3A_1053] : memref<36864x128xf32, #tpu.memory_space<hbm>> -> memref<128x128xf32, #tpu.memory_space<hbm>>
    %dma_wait3A_1055 = arith.constant 0 : i32
    %dma_wait3A_1056 = tpu.memref_slice %arg4[%mul3A_938, %dma_wait3A_1055] : memref<36864x128xf32, #tpu.memory_space<hbm>> -> memref<128x128xf32, #tpu.memory_space<hbm>>
    %dma_wait3A_1057 = arith.constant 0 : i32
    %dma_wait3A_1058 = arith.constant 0 : i32
    %dma_wait3A_1059 = tpu.memref_slice %arg6[%dma_wait3A_1048, %dma_wait3A_1057, %dma_wait3A_1058] : memref<3x128x128xf32, #tpu.memory_space<vmem>> -> memref<1x128x128xf32, #tpu.memory_space<vmem>>
    %dma_wait3A_1060 = tpu.memref_squeeze %dma_wait3A_1059 : memref<1x128x128xf32, #tpu.memory_space<vmem>> -> memref<128x128xf32, #tpu.memory_space<vmem>>
    tpu.wait_dma2 semaphore(%arg9 : memref<!tpu.dma_semaphore, #tpu.memory_space<semaphore_mem>>) src(%dma_wait3A_1060 : memref<128x128xf32, #tpu.memory_space<vmem>>) dst(%dma_wait3A_1056 : memref<128x128xf32, #tpu.memory_space<hbm>>)
    %dma_wait3A_1061 = arith.constant 1 : i32
    %dma_wait3A_1062 = arith.constant 0 : i32
    %dma_wait3A_1063 = arith.constant 0 : i32
    %dma_wait3A_1064 = tpu.memref_slice %arg6[%dma_wait3A_1061, %dma_wait3A_1062, %dma_wait3A_1063] : memref<3x128x128xf32, #tpu.memory_space<vmem>> -> memref<1x128x128xf32, #tpu.memory_space<vmem>>
    %dma_wait3A_1065 = tpu.memref_squeeze %dma_wait3A_1064 : memref<1x128x128xf32, #tpu.memory_space<vmem>> -> memref<128x128xf32, #tpu.memory_space<vmem>>
    %dma_wait3A_1066 = arith.constant 0 : i32
    %dma_wait3A_1067 = tpu.memref_slice %arg4[%mul3A_1005, %dma_wait3A_1066] : memref<36864x128xf32, #tpu.memory_space<hbm>> -> memref<128x128xf32, #tpu.memory_space<hbm>>
    %dma_wait3A_1068 = arith.constant 0 : i32
    %dma_wait3A_1069 = tpu.memref_slice %arg4[%mul3A_1005, %dma_wait3A_1068] : memref<36864x128xf32, #tpu.memory_space<hbm>> -> memref<128x128xf32, #tpu.memory_space<hbm>>
    %dma_wait3A_1070 = arith.constant 0 : i32
    %dma_wait3A_1071 = arith.constant 0 : i32
    %dma_wait3A_1072 = tpu.memref_slice %arg6[%dma_wait3A_1061, %dma_wait3A_1070, %dma_wait3A_1071] : memref<3x128x128xf32, #tpu.memory_space<vmem>> -> memref<1x128x128xf32, #tpu.memory_space<vmem>>
    %dma_wait3A_1073 = tpu.memref_squeeze %dma_wait3A_1072 : memref<1x128x128xf32, #tpu.memory_space<vmem>> -> memref<128x128xf32, #tpu.memory_space<vmem>>
    tpu.wait_dma2 semaphore(%arg9 : memref<!tpu.dma_semaphore, #tpu.memory_space<semaphore_mem>>) src(%dma_wait3A_1073 : memref<128x128xf32, #tpu.memory_space<vmem>>) dst(%dma_wait3A_1069 : memref<128x128xf32, #tpu.memory_space<hbm>>)
    %dma_wait3A_1074 = arith.constant 2 : i32
    %dma_wait3A_1075 = arith.constant 0 : i32
    %dma_wait3A_1076 = arith.constant 0 : i32
    %dma_wait3A_1077 = tpu.memref_slice %arg6[%dma_wait3A_1074, %dma_wait3A_1075, %dma_wait3A_1076] : memref<3x128x128xf32, #tpu.memory_space<vmem>> -> memref<1x128x128xf32, #tpu.memory_space<vmem>>
    %dma_wait3A_1078 = tpu.memref_squeeze %dma_wait3A_1077 : memref<1x128x128xf32, #tpu.memory_space<vmem>> -> memref<128x128xf32, #tpu.memory_space<vmem>>
    %dma_wait3A_1079 = arith.constant 0 : i32
    %dma_wait3A_1080 = tpu.memref_slice %arg4[%mul3A_1034, %dma_wait3A_1079] : memref<36864x128xf32, #tpu.memory_space<hbm>> -> memref<128x128xf32, #tpu.memory_space<hbm>>
    %dma_wait3A_1081 = arith.constant 0 : i32
    %dma_wait3A_1082 = tpu.memref_slice %arg4[%mul3A_1034, %dma_wait3A_1081] : memref<36864x128xf32, #tpu.memory_space<hbm>> -> memref<128x128xf32, #tpu.memory_space<hbm>>
    %dma_wait3A_1083 = arith.constant 0 : i32
    %dma_wait3A_1084 = arith.constant 0 : i32
    %dma_wait3A_1085 = tpu.memref_slice %arg6[%dma_wait3A_1074, %dma_wait3A_1083, %dma_wait3A_1084] : memref<3x128x128xf32, #tpu.memory_space<vmem>> -> memref<1x128x128xf32, #tpu.memory_space<vmem>>
    %dma_wait3A_1086 = tpu.memref_squeeze %dma_wait3A_1085 : memref<1x128x128xf32, #tpu.memory_space<vmem>> -> memref<128x128xf32, #tpu.memory_space<vmem>>
    tpu.wait_dma2 semaphore(%arg9 : memref<!tpu.dma_semaphore, #tpu.memory_space<semaphore_mem>>) src(%dma_wait3A_1086 : memref<128x128xf32, #tpu.memory_space<vmem>>) dst(%dma_wait3A_1082 : memref<128x128xf32, #tpu.memory_space<hbm>>)
    return
  }
}

module attributes {stable_mosaic.version = 14 : i64} {
  func.func @_argmin_body(%arg0: i32, %arg1: memref<2x64x576xf32, #tpu.memory_space<vmem>>, %arg2: memref<1024x64xf32, #tpu.memory_space<vmem>>, %arg3: memref<1x9x128xi32, #tpu.memory_space<vmem>>, %arg4: memref<1024x128xf32, #tpu.memory_space<vmem>>) attributes {dimension_semantics = [#tpu.dimension_semantics<arbitrary>], iteration_bounds = array<i64: 32>, scalar_prefetch = 0 : i64, scratch_operands = 0 : i64, tpu.core_type = #tpu.core_type<tc>, window_params = [{transform_indices = @transform_0, window_bounds = array<i64: 2, 64, 576>}, {pipeline_mode = #tpu.pipeline_mode<synchronous>, transform_indices = @transform_1, window_bounds = array<i64: 1024, 64>}, {transform_indices = @transform_2, window_bounds = array<i64: 1, 9, 128>}, {pipeline_mode = #tpu.pipeline_mode<synchronous>, transform_indices = @transform_3, window_bounds = array<i64: 1024, 128>}]} {
    %get3A = arith.constant 0 : index
    %get3A_0 = arith.constant 0 : index
    %get3A_1 = arith.constant 0 : index
    %get3A_2 = vector.load %arg1[%get3A, %get3A_0, %get3A_1] : memref<2x64x576xf32, #tpu.memory_space<vmem>>, vector<1x64x576xf32>
    %get3A_3 = vector.shape_cast %get3A_2 : vector<1x64x576xf32> to vector<64x576xf32>
    %broadcast_in_dim3A = arith.constant 0x7F800000 : f32
    %broadcast_in_dim3A_4 = vector.broadcast %broadcast_in_dim3A : f32 to vector<1x576xf32>
    %broadcast_in_dim3A_5 = arith.constant 0 : i32
    %broadcast_in_dim3A_6 = vector.broadcast %broadcast_in_dim3A_5 : i32 to vector<1x576xi32>
    %iota3A = tpu.iota {dimensions = array<i32: 0>} : vector<512x576xi32>
    %get3A_7 = arith.constant 0 : index
    %get3A_8 = arith.constant 0 : index
    %get3A_9 = vector.load %arg2[%get3A_7, %get3A_8] : memref<1024x64xf32, #tpu.memory_space<vmem>>, vector<512x64xf32>
    %dot_general3A = arith.constant dense<0.000000e+00> : vector<512x576xf32>
    %dot_general3A_10 = tpu.matmul %get3A_9, %get3A_3, %dot_general3A {dimension_numbers = #tpu.dot_dimension_numbers<[1], [0], [0], [1], [0, 0, 1, 1], [], []>, transpose_lhs_hint = false} : vector<512x64xf32>, vector<64x576xf32>, vector<512x576xf32> -> vector<512x576xf32>
    %mul3A = arith.mulf %get3A_9, %get3A_9 : vector<512x64xf32>
    %reduce_sum3A = arith.constant dense<0.000000e+00> : vector<512xf32>
    %reduce_sum3A_11 = vector.multi_reduction <add>, %mul3A, %reduce_sum3A [1] : vector<512x64xf32> to vector<512xf32>
    %broadcast_in_dim3A_12 = vector.shape_cast %reduce_sum3A_11 : vector<512xf32> to vector<512x1xf32>
    %mul3A_13 = arith.constant 5.000000e-01 : f32
    %mul3A_14 = vector.broadcast %mul3A_13 : f32 to vector<512x1xf32>
    %mul3A_15 = arith.mulf %broadcast_in_dim3A_12, %mul3A_14 : vector<512x1xf32>
    %sub3A = vector.broadcast %mul3A_15 : vector<512x1xf32> to vector<512x576xf32>
    %sub3A_16 = arith.subf %sub3A, %dot_general3A_10 : vector<512x576xf32>
    %reduce_min3A = arith.constant dense<0x7F800000> : vector<576xf32>
    %reduce_min3A_17 = vector.multi_reduction <minimumf>, %sub3A_16, %reduce_min3A [0] : vector<512x576xf32> to vector<576xf32>
    %broadcast_in_dim3A_18 = vector.shape_cast %reduce_min3A_17 : vector<576xf32> to vector<1x576xf32>
    %eq3A = vector.broadcast %broadcast_in_dim3A_18 : vector<1x576xf32> to vector<512x576xf32>
    %eq3A_19 = arith.cmpf oeq, %sub3A_16, %eq3A : vector<512x576xf32>
    %jit3A = arith.constant 512 : i32
    %broadcast_in_dim3A_20 = vector.broadcast %jit3A : i32 to vector<512x576xi32>
    %select_n3A = arith.select %eq3A_19, %iota3A, %broadcast_in_dim3A_20 : vector<512x576xi1>, vector<512x576xi32>
    %reduce_min3A_21 = arith.constant dense<2147483647> : vector<576xi32>
    %reduce_min3A_22 = vector.multi_reduction <minsi>, %select_n3A, %reduce_min3A_21 [0] : vector<512x576xi32> to vector<576xi32>
    %broadcast_in_dim3A_23 = vector.shape_cast %reduce_min3A_22 : vector<576xi32> to vector<1x576xi32>
    %lt3A = arith.cmpf olt, %broadcast_in_dim3A_18, %broadcast_in_dim3A_4 : vector<1x576xf32>
    %add3A = arith.constant 0 : i32
    %add3A_24 = vector.broadcast %add3A : i32 to vector<1x576xi32>
    %add3A_25 = arith.addi %broadcast_in_dim3A_23, %add3A_24 : vector<1x576xi32>
    %select_n3A_26 = arith.select %lt3A, %add3A_25, %broadcast_in_dim3A_6 : vector<1x576xi1>, vector<1x576xi32>
    %min3A = arith.minimumf %broadcast_in_dim3A_4, %broadcast_in_dim3A_18 : vector<1x576xf32>
    %get3A_27 = arith.constant 512 : index
    %get3A_28 = arith.constant 0 : index
    %get3A_29 = vector.load %arg2[%get3A_27, %get3A_28] : memref<1024x64xf32, #tpu.memory_space<vmem>>, vector<512x64xf32>
    %dot_general3A_30 = arith.constant dense<0.000000e+00> : vector<512x576xf32>
    %dot_general3A_31 = tpu.matmul %get3A_29, %get3A_3, %dot_general3A_30 {dimension_numbers = #tpu.dot_dimension_numbers<[1], [0], [0], [1], [0, 0, 1, 1], [], []>, transpose_lhs_hint = false} : vector<512x64xf32>, vector<64x576xf32>, vector<512x576xf32> -> vector<512x576xf32>
    %mul3A_32 = arith.mulf %get3A_29, %get3A_29 : vector<512x64xf32>
    %reduce_sum3A_33 = arith.constant dense<0.000000e+00> : vector<512xf32>
    %reduce_sum3A_34 = vector.multi_reduction <add>, %mul3A_32, %reduce_sum3A_33 [1] : vector<512x64xf32> to vector<512xf32>
    %broadcast_in_dim3A_35 = vector.shape_cast %reduce_sum3A_34 : vector<512xf32> to vector<512x1xf32>
    %mul3A_36 = arith.constant 5.000000e-01 : f32
    %mul3A_37 = vector.broadcast %mul3A_36 : f32 to vector<512x1xf32>
    %mul3A_38 = arith.mulf %broadcast_in_dim3A_35, %mul3A_37 : vector<512x1xf32>
    %sub3A_39 = vector.broadcast %mul3A_38 : vector<512x1xf32> to vector<512x576xf32>
    %sub3A_40 = arith.subf %sub3A_39, %dot_general3A_31 : vector<512x576xf32>
    %reduce_min3A_41 = arith.constant dense<0x7F800000> : vector<576xf32>
    %reduce_min3A_42 = vector.multi_reduction <minimumf>, %sub3A_40, %reduce_min3A_41 [0] : vector<512x576xf32> to vector<576xf32>
    %broadcast_in_dim3A_43 = vector.shape_cast %reduce_min3A_42 : vector<576xf32> to vector<1x576xf32>
    %eq3A_44 = vector.broadcast %broadcast_in_dim3A_43 : vector<1x576xf32> to vector<512x576xf32>
    %eq3A_45 = arith.cmpf oeq, %sub3A_40, %eq3A_44 : vector<512x576xf32>
    %jit3A_46 = arith.constant 512 : i32
    %broadcast_in_dim3A_47 = vector.broadcast %jit3A_46 : i32 to vector<512x576xi32>
    %select_n3A_48 = arith.select %eq3A_45, %iota3A, %broadcast_in_dim3A_47 : vector<512x576xi1>, vector<512x576xi32>
    %reduce_min3A_49 = arith.constant dense<2147483647> : vector<576xi32>
    %reduce_min3A_50 = vector.multi_reduction <minsi>, %select_n3A_48, %reduce_min3A_49 [0] : vector<512x576xi32> to vector<576xi32>
    %broadcast_in_dim3A_51 = vector.shape_cast %reduce_min3A_50 : vector<576xi32> to vector<1x576xi32>
    %lt3A_52 = arith.cmpf olt, %broadcast_in_dim3A_43, %min3A : vector<1x576xf32>
    %add3A_53 = arith.constant 512 : i32
    %add3A_54 = vector.broadcast %add3A_53 : i32 to vector<1x576xi32>
    %add3A_55 = arith.addi %broadcast_in_dim3A_51, %add3A_54 : vector<1x576xi32>
    %select_n3A_56 = arith.select %lt3A_52, %add3A_55, %select_n3A_26 : vector<1x576xi1>, vector<1x576xi32>
    %get3A_57 = arith.constant 1 : index
    %get3A_58 = arith.constant 0 : index
    %get3A_59 = arith.constant 0 : index
    %get3A_60 = vector.load %arg1[%get3A_57, %get3A_58, %get3A_59] : memref<2x64x576xf32, #tpu.memory_space<vmem>>, vector<1x64x576xf32>
    %get3A_61 = vector.shape_cast %get3A_60 : vector<1x64x576xf32> to vector<64x576xf32>
    %broadcast_in_dim3A_62 = arith.constant 0x7F800000 : f32
    %broadcast_in_dim3A_63 = vector.broadcast %broadcast_in_dim3A_62 : f32 to vector<1x576xf32>
    %broadcast_in_dim3A_64 = arith.constant 0 : i32
    %broadcast_in_dim3A_65 = vector.broadcast %broadcast_in_dim3A_64 : i32 to vector<1x576xi32>
    %iota3A_66 = tpu.iota {dimensions = array<i32: 0>} : vector<512x576xi32>
    %get3A_67 = arith.constant 0 : index
    %get3A_68 = arith.constant 0 : index
    %get3A_69 = vector.load %arg2[%get3A_67, %get3A_68] : memref<1024x64xf32, #tpu.memory_space<vmem>>, vector<512x64xf32>
    %dot_general3A_70 = arith.constant dense<0.000000e+00> : vector<512x576xf32>
    %dot_general3A_71 = tpu.matmul %get3A_69, %get3A_61, %dot_general3A_70 {dimension_numbers = #tpu.dot_dimension_numbers<[1], [0], [0], [1], [0, 0, 1, 1], [], []>, transpose_lhs_hint = false} : vector<512x64xf32>, vector<64x576xf32>, vector<512x576xf32> -> vector<512x576xf32>
    %mul3A_72 = arith.mulf %get3A_69, %get3A_69 : vector<512x64xf32>
    %reduce_sum3A_73 = arith.constant dense<0.000000e+00> : vector<512xf32>
    %reduce_sum3A_74 = vector.multi_reduction <add>, %mul3A_72, %reduce_sum3A_73 [1] : vector<512x64xf32> to vector<512xf32>
    %broadcast_in_dim3A_75 = vector.shape_cast %reduce_sum3A_74 : vector<512xf32> to vector<512x1xf32>
    %mul3A_76 = arith.constant 5.000000e-01 : f32
    %mul3A_77 = vector.broadcast %mul3A_76 : f32 to vector<512x1xf32>
    %mul3A_78 = arith.mulf %broadcast_in_dim3A_75, %mul3A_77 : vector<512x1xf32>
    %sub3A_79 = vector.broadcast %mul3A_78 : vector<512x1xf32> to vector<512x576xf32>
    %sub3A_80 = arith.subf %sub3A_79, %dot_general3A_71 : vector<512x576xf32>
    %reduce_min3A_81 = arith.constant dense<0x7F800000> : vector<576xf32>
    %reduce_min3A_82 = vector.multi_reduction <minimumf>, %sub3A_80, %reduce_min3A_81 [0] : vector<512x576xf32> to vector<576xf32>
    %broadcast_in_dim3A_83 = vector.shape_cast %reduce_min3A_82 : vector<576xf32> to vector<1x576xf32>
    %eq3A_84 = vector.broadcast %broadcast_in_dim3A_83 : vector<1x576xf32> to vector<512x576xf32>
    %eq3A_85 = arith.cmpf oeq, %sub3A_80, %eq3A_84 : vector<512x576xf32>
    %jit3A_86 = arith.constant 512 : i32
    %broadcast_in_dim3A_87 = vector.broadcast %jit3A_86 : i32 to vector<512x576xi32>
    %select_n3A_88 = arith.select %eq3A_85, %iota3A_66, %broadcast_in_dim3A_87 : vector<512x576xi1>, vector<512x576xi32>
    %reduce_min3A_89 = arith.constant dense<2147483647> : vector<576xi32>
    %reduce_min3A_90 = vector.multi_reduction <minsi>, %select_n3A_88, %reduce_min3A_89 [0] : vector<512x576xi32> to vector<576xi32>
    %broadcast_in_dim3A_91 = vector.shape_cast %reduce_min3A_90 : vector<576xi32> to vector<1x576xi32>
    %lt3A_92 = arith.cmpf olt, %broadcast_in_dim3A_83, %broadcast_in_dim3A_63 : vector<1x576xf32>
    %add3A_93 = arith.constant 0 : i32
    %add3A_94 = vector.broadcast %add3A_93 : i32 to vector<1x576xi32>
    %add3A_95 = arith.addi %broadcast_in_dim3A_91, %add3A_94 : vector<1x576xi32>
    %select_n3A_96 = arith.select %lt3A_92, %add3A_95, %broadcast_in_dim3A_65 : vector<1x576xi1>, vector<1x576xi32>
    %min3A_97 = arith.minimumf %broadcast_in_dim3A_63, %broadcast_in_dim3A_83 : vector<1x576xf32>
    %get3A_98 = arith.constant 512 : index
    %get3A_99 = arith.constant 0 : index
    %get3A_100 = vector.load %arg2[%get3A_98, %get3A_99] : memref<1024x64xf32, #tpu.memory_space<vmem>>, vector<512x64xf32>
    %dot_general3A_101 = arith.constant dense<0.000000e+00> : vector<512x576xf32>
    %dot_general3A_102 = tpu.matmul %get3A_100, %get3A_61, %dot_general3A_101 {dimension_numbers = #tpu.dot_dimension_numbers<[1], [0], [0], [1], [0, 0, 1, 1], [], []>, transpose_lhs_hint = false} : vector<512x64xf32>, vector<64x576xf32>, vector<512x576xf32> -> vector<512x576xf32>
    %mul3A_103 = arith.mulf %get3A_100, %get3A_100 : vector<512x64xf32>
    %reduce_sum3A_104 = arith.constant dense<0.000000e+00> : vector<512xf32>
    %reduce_sum3A_105 = vector.multi_reduction <add>, %mul3A_103, %reduce_sum3A_104 [1] : vector<512x64xf32> to vector<512xf32>
    %broadcast_in_dim3A_106 = vector.shape_cast %reduce_sum3A_105 : vector<512xf32> to vector<512x1xf32>
    %mul3A_107 = arith.constant 5.000000e-01 : f32
    %mul3A_108 = vector.broadcast %mul3A_107 : f32 to vector<512x1xf32>
    %mul3A_109 = arith.mulf %broadcast_in_dim3A_106, %mul3A_108 : vector<512x1xf32>
    %sub3A_110 = vector.broadcast %mul3A_109 : vector<512x1xf32> to vector<512x576xf32>
    %sub3A_111 = arith.subf %sub3A_110, %dot_general3A_102 : vector<512x576xf32>
    %reduce_min3A_112 = arith.constant dense<0x7F800000> : vector<576xf32>
    %reduce_min3A_113 = vector.multi_reduction <minimumf>, %sub3A_111, %reduce_min3A_112 [0] : vector<512x576xf32> to vector<576xf32>
    %broadcast_in_dim3A_114 = vector.shape_cast %reduce_min3A_113 : vector<576xf32> to vector<1x576xf32>
    %eq3A_115 = vector.broadcast %broadcast_in_dim3A_114 : vector<1x576xf32> to vector<512x576xf32>
    %eq3A_116 = arith.cmpf oeq, %sub3A_111, %eq3A_115 : vector<512x576xf32>
    %jit3A_117 = arith.constant 512 : i32
    %broadcast_in_dim3A_118 = vector.broadcast %jit3A_117 : i32 to vector<512x576xi32>
    %select_n3A_119 = arith.select %eq3A_116, %iota3A_66, %broadcast_in_dim3A_118 : vector<512x576xi1>, vector<512x576xi32>
    %reduce_min3A_120 = arith.constant dense<2147483647> : vector<576xi32>
    %reduce_min3A_121 = vector.multi_reduction <minsi>, %select_n3A_119, %reduce_min3A_120 [0] : vector<512x576xi32> to vector<576xi32>
    %broadcast_in_dim3A_122 = vector.shape_cast %reduce_min3A_121 : vector<576xi32> to vector<1x576xi32>
    %lt3A_123 = arith.cmpf olt, %broadcast_in_dim3A_114, %min3A_97 : vector<1x576xf32>
    %add3A_124 = arith.constant 512 : i32
    %add3A_125 = vector.broadcast %add3A_124 : i32 to vector<1x576xi32>
    %add3A_126 = arith.addi %broadcast_in_dim3A_122, %add3A_125 : vector<1x576xi32>
    %select_n3A_127 = arith.select %lt3A_123, %add3A_126, %select_n3A_96 : vector<1x576xi1>, vector<1x576xi32>
    %concatenate3A = tpu.concatenate %select_n3A_56, %select_n3A_127 in 1 : vector<1x576xi32>, vector<1x576xi32> -> vector<1x1152xi32>
    %reshape3A = vector.shape_cast %concatenate3A : vector<1x1152xi32> to vector<1x9x128xi32>
    %swap3A = arith.constant 0 : index
    %swap3A_128 = arith.constant 0 : index
    %swap3A_129 = arith.constant 0 : index
    %swap3A_130 = vector.load %arg3[%swap3A, %swap3A_128, %swap3A_129] : memref<1x9x128xi32, #tpu.memory_space<vmem>>, vector<1x9x128xi32>
    tpu.vector_store %arg3[%swap3A, %swap3A_128, %swap3A_129], %reshape3A {strides = array<i32>} : memref<1x9x128xi32, #tpu.memory_space<vmem>>, vector<1x9x128xi32>,
    %eq3A_131 = arith.constant 0 : i32
    %eq3A_132 = arith.cmpi eq, %arg0, %eq3A_131 : i32
    %convert_element_type3A = arith.extui %eq3A_132 : i1 to i32
    %cond3A = arith.constant 0 : i32
    %cond3A_133 = arith.cmpi ne, %convert_element_type3A, %cond3A : i32
    scf.if %cond3A_133 {
      %get3A_134 = arith.constant 0 : index
      %get3A_135 = arith.constant 0 : index
      %get3A_136 = vector.load %arg2[%get3A_134, %get3A_135] : memref<1024x64xf32, #tpu.memory_space<vmem>>, vector<1024x64xf32>
      %broadcast_in_dim3A_137 = arith.constant 0.000000e+00 : f32
      %broadcast_in_dim3A_138 = vector.broadcast %broadcast_in_dim3A_137 : f32 to vector<1024x64xf32>
      %concatenate3A_139 = tpu.concatenate %get3A_136, %broadcast_in_dim3A_138 in 1 : vector<1024x64xf32>, vector<1024x64xf32> -> vector<1024x128xf32>
      %swap3A_140 = arith.constant 0 : index
      %swap3A_141 = arith.constant 0 : index
      %swap3A_142 = vector.load %arg4[%swap3A_140, %swap3A_141] : memref<1024x128xf32, #tpu.memory_space<vmem>>, vector<1024x128xf32>
      tpu.vector_store %arg4[%swap3A_140, %swap3A_141], %concatenate3A_139 {strides = array<i32>} : memref<1024x128xf32, #tpu.memory_space<vmem>>, vector<1024x128xf32>,
    } else {
    }
    return
  }
  func.func @transform_0(%arg0: i32) -> (i32, i32, i32) {
    %c0_i32 = arith.constant 0 : i32
    %c0_i32_0 = arith.constant 0 : i32
    %c0_i32_1 = arith.constant 0 : i32
    return %arg0, %c0_i32, %c0_i32_0 : i32, i32, i32
  }
  func.func @transform_1(%arg0: i32) -> (i32, i32) {
    %c0_i32 = arith.constant 0 : i32
    %c0_i32_0 = arith.constant 0 : i32
    %c0_i32_1 = arith.constant 0 : i32
    return %c0_i32, %c0_i32_0 : i32, i32
  }
  func.func @transform_2(%arg0: i32) -> (i32, i32, i32) {
    %c0_i32 = arith.constant 0 : i32
    %c0_i32_0 = arith.constant 0 : i32
    %c0_i32_1 = arith.constant 0 : i32
    return %arg0, %c0_i32, %c0_i32_0 : i32, i32, i32
  }
  func.func @transform_3(%arg0: i32) -> (i32, i32) {
    %c0_i32 = arith.constant 0 : i32
    %c0_i32_0 = arith.constant 0 : i32
    %c0_i32_1 = arith.constant 0 : i32
    return %c0_i32, %c0_i32_0 : i32, i32
  }
}

</mosaic_0001>

<sc_bundles>
// kernel: kernel.4.cloned.1.call-start
scs
__scs_entry_jumppad:
0x0: {  	(pc) =	sbr.rel $0x88, $3  }
0x1: {  	(tag) =	ssettag $0x0;
	lr =	simm.s32 $0x1  }
0x2: {  	[smem:$0x3F9F] =	sst lr;
	_ =	strace $0xD0000000  }
0x3: {  	_ = 	snop  }
0x4: {  	_ = 	snop  }
0x5: {  	_ = 	snop  }
0x6: {  	_ = 	snop  }
0x7: {  	_ = 	snop  }
__scs_overlays_trampoline_lowered:
0x8: {  	[smem:$0x3FAE] =	sst s0  }
0x9: {  	[smem:$0x3FAF] =	sst s1  }
0xa: {  	[smem:$0x3FB0] =	sst s2  }
0xb: {  	[smem:$0x3FB1] =	sst s3  }
0xc: {  	[smem:$0x3FB2] =	sst s4  }
0xd: {  	[smem:$0x3FB3] =	sst s5  }
0xe: {  	[smem:$0x3FB4] =	sst s6  }
0xf: {  	[smem:$0x3FB5] =	sst s7  }
0x10: {  	[smem:$0x3FB6] =	sst s8  }
0x11: {  	[smem:$0x3FB7] =	sst s9;
	s0 =	simm.s32 @!p0 $0x0  }
0x12: {  	s1 =	sld [smem:$0x3F9D];
	s0 =	simm.s32 @p0 $0x1  }
0x13: {  	[smem:$0x3FB8] =	sst s0;
	s0 =	simm.s32 @!p1 $0x0  }
0x14: {  	s2 =	sld [smem:$0x3F9C];
	s0 =	simm.s32 @p1 $0x1  }
0x15: {  	[smem:$0x3FB9] =	sst s0;
	s0 =	simm.s32 @!p2 $0x0  }
0x16: {  	s3 =	sld [smem:$0x3FDB];
	s0 =	simm.s32 @p2 $0x1  }
0x17: {  	s4 =	simm.s32 $0x1BF5;
	[smem:$0x3FBB] =	sst s0  }
0x18: {  	s0 =	sld [smem:$0x3F9E];
	_ =	swait.ge [sflag:s4], $0x0  }
0x19: {  	s7 =	sld [smem:$0x3F9F]  }
0x1a: {  	s8 =	sadd.s32 $0xFFFFE003, lr  }
0x1b: {  	s9 =	sadd.s32 $0xFFFFFEF7, lr;
	s5 =	simm.s32 $0xFFFFFFFF;
	p2 =	slt.u32 s8, $0xFFFFF086  }
0x1c: {  	p1 =	slt.u32 s9, $0xF7A;
	s5 =	simm.s32 @!p2 $0x0  }
0x1d: {  	s5 =	simm.s32 @p1 $0x1;
	p0 =	seq.s32 s7, s2  }
0x1e: {  	s7 =	smul.u32 @!p0 $0xF7A, s2;
	p2 =	seq.s32 @!p0 s5, $0x0  }
0x1f: {  	s9 =	smul.u32 $0xF7A, s1;
	s8 =	simm.s32 @!p0 $0x1BF5;
	p2 =	por !p2, p0  }
0x20: {  	[sflag:s8] =	ssyncset.s32 @!p0 $0xFFFFF086;
	s6 =	sadd.s32 @!p0 s3, s7;
	s7 =	simm.s32 @!p0 $0x108  }
0x21: {  	s3 =	sadd.s32 s3, s9;
	s6 =	sadd.s32 @!p0 $0x88, s6;
	s7 =	simm.s32 @p2 $0x1082  }
0x22: {  	[simem:s7], [sflag:s8] =	dma.local @!p0 [hbm:s6], $0xF7A  }
0x23: {  	s9 =	sor.u32 $0xD0000000, s2;
	s6 =	simm.s32 $0x108;
	_ =	swait.ge @!p0 [sflag:s8], $0x0  }
0x24: {  	s3 =	sadd.s32 $0x88, s3;
	s6 =	simm.s32 @!p1 $0x1082;
	[sflag:s4] =	ssyncset.s32 $0xFFFFF086  }
0x25: {  	[simem:s6], [sflag:s4] =	dma.local [hbm:s3], $0xF7A  }
0x26: {  	[smem:$0x3F9F] =	sst s1;
	(tag) =	ssettag s2;
	_ =	strace s9  }
0x27: {  	s1 =	sld [smem:$0x3FAF]  }
0x28: {  	s2 =	sld [smem:$0x3FB0]  }
0x29: {  	s4 =	sld [smem:$0x3FB2]  }
0x2a: {  	p0 =	seq.s32 s5, $0x0;
	s5 =	sld [smem:$0x3FB3]  }
0x2b: {  	s6 =	sld [smem:$0x3FB4]  }
0x2c: {  	s7 =	sld [smem:$0x3FB5]  }
0x2d: {  	s3 =	simm.s32 $0x108;
	s8 =	sld [smem:$0x3FB6]  }
0x2e: {  	s3 =	simm.s32 @!p0 $0x1082;
	s9 =	sld [smem:$0x3FB7]  }
0x2f: {  	lr =	sadd.s32 s0, s3;
	s0 =	sld [smem:$0x3FAE]  }
0x30: {  	s3 =	sld [smem:$0x3FB1]  }
0x31: {  	[smem:$0x3FBA] =	sst s10  }
0x32: {  	s10 =	sld [smem:$0x3FB8];
	_ =	sdelay $0x3  }
0x33: {  	p0 =	seq.s32 s10, $0x1;
	s10 =	sld [smem:$0x3FBA];
	_ =	sdelay $0x3  }
0x34: {  	[smem:$0x3FBA] =	sst s10  }
0x35: {  	s10 =	sld [smem:$0x3FB9];
	_ =	sdelay $0x3  }
0x36: {  	p1 =	seq.s32 s10, $0x1;
	s10 =	sld [smem:$0x3FBA];
	_ =	sdelay $0x3  }
0x37: {  	[smem:$0x3FBA] =	sst s10  }
0x38: {  	s10 =	sld [smem:$0x3FBB]  }
0x39: {  	_ = 	snop;
	(pc) =	sbr.ind lr, $3  }
0x3a: {  	_ = 	snop  }
0x3b: {  	_ = 	snop  }
0x3c: {  	p2 =	seq.s32 s10, $0x1;
	s10 =	sld [smem:$0x3FBA]  }
0x3d: {  	_ =	shalt  }
0x3e: {  	_ =	shalt  }
0x3f: {  	_ =	shalt  }
0x40: {  	_ =	shalt  }
0x41: {  	_ =	shalt  }
0x42: {  	_ =	shalt  }
0x43: {  	_ =	shalt  }
0x44: {  	_ =	shalt  }
0x45: {  	_ =	shalt  }
0x46: {  	_ =	shalt  }
0x47: {  	_ =	shalt  }
0x48: {  	_ =	shalt  }
0x49: {  	_ =	shalt  }
0x4a: {  	_ =	shalt  }
0x4b: {  	_ =	shalt  }
0x4c: {  	_ =	shalt  }
0x4d: {  	_ =	shalt  }
0x4e: {  	_ =	shalt  }
0x4f: {  	_ =	shalt  }
0x50: {  	_ =	shalt  }
0x51: {  	_ =	shalt  }
0x52: {  	_ =	shalt  }
0x53: {  	_ =	shalt  }
0x54: {  	_ =	shalt  }
0x55: {  	_ =	shalt  }
0x56: {  	_ =	shalt  }
0x57: {  	_ =	shalt  }
0x58: {  	_ =	shalt  }
0x59: {  	_ =	shalt  }
0x5a: {  	_ =	shalt  }
0x5b: {  	_ =	shalt  }
0x5c: {  	_ =	shalt  }
0x5d: {  	_ =	shalt  }
0x5e: {  	_ =	shalt  }
0x5f: {  	_ =	shalt  }
0x60: {  	_ =	shalt  }
0x61: {  	_ =	shalt  }
0x62: {  	_ =	shalt  }
0x63: {  	_ =	shalt  }
0x64: {  	_ =	shalt  }
0x65: {  	_ =	shalt  }
0x66: {  	_ =	shalt  }
0x67: {  	_ =	shalt  }
0x68: {  	_ =	shalt  }
0x69: {  	_ =	shalt  }
0x6a: {  	_ =	shalt  }
0x6b: {  	_ =	shalt  }
0x6c: {  	_ =	shalt  }
0x6d: {  	_ =	shalt  }
0x6e: {  	_ =	shalt  }
0x6f: {  	_ =	shalt  }
0x70: {  	_ =	shalt  }
0x71: {  	_ =	shalt  }
0x72: {  	_ =	shalt  }
0x73: {  	_ =	shalt  }
0x74: {  	_ =	shalt  }
0x75: {  	_ =	shalt  }
0x76: {  	_ =	shalt  }
0x77: {  	_ =	shalt  }
0x78: {  	_ =	shalt  }
0x79: {  	_ =	shalt  }
0x7a: {  	_ =	shalt  }
0x7b: {  	_ =	shalt  }
0x7c: {  	_ =	shalt  }
0x7d: {  	_ =	shalt  }
0x7e: {  	_ =	shalt  }
0x7f: {  	_ =	shalt  }
0x80: {  	_ =	shalt  }
0x81: {  	_ =	shalt  }
0x82: {  	_ =	shalt  }
0x83: {  	_ =	shalt  }
0x84: {  	_ =	shalt  }
0x85: {  	_ =	shalt  }
0x86: {  	_ =	shalt  }
0x87: {  	_ =	shalt  }
.Lfunc_end0:
.L_simem_size_0:
called_computation_lowered:
.L_overlay_start_0:
0x88: {  	s2 =	sld [smem:$0x3FD9]  }
0x89: {  	s3 =	sld [smem:$0x3FFE];
	_ =	sdelay $0x1  }
0x8a: {  	s1 =	srdreg.scid  }
0x8b: {  	s0 =	sand.u32 $0x1, s1  }
0x8c: {  	s17 =	sshll.u32 s0, $0xA;
	s2 =	sadd.s32 s3, s2  }
0x8d: {  	s2 =	sadd.s32 s2, s17  }
0x8e: {  	[smem:$0x3FC6] =	sst s2  }
0x8f: {  	_ = 	snop  }
0x90: {  	s2 =	sld [smem:$0x3FD0];
	(tm) =	ssettm $0x1  }
0x91: {  	s18 =	sld [smem:$0x3FFB];
	_ =	sdelay $0x3  }
0x92: {  	_ =	strace s18  }
0x93: {  	s3 =	sld [smem:$0x3FFC];
	_ =	sdelay $0x3  }
0x94: {  	_ =	strace s3  }
0x95: {  	s3 =	sld [smem:$0x3FFD];
	_ =	sdelay $0x3  }
0x96: {  	_ =	strace s3  }
0x97: {  	_ =	strace $0x8FFFFFFF  }
0x98: {  	s19 =	sld [smem:$0x3FDB];
	_ =	sdelay $0x1  }
0x99: {  	s4 =	simm.s32 $_scs_section_size  }
0x9a: {  	s5 =	simm.s32 $_size__tile_overlayer_lowered;
	s6 =	simm.s32 $_tile_overlayer_lowered  }
0x9b: {  	s22 =	simm.s32 $0x1BFF;
	s21 =	sshll.u32 s6, $0x1;
	s3 =	sadd.s32 s4, s19  }
0x9c: {  	s7 =	simm.s32 $0x0;
	s20 =	sshll.u32 s5, $0x1;
	s5 =	sadd.s32 s21, s3  }
0x9d: {  	[timem:s7], [sflag:s22] =	dma.local [hbm:s5], s20  }
0x9e: {  	_ =	swait.ge [sflag:s22], s20  }
0x9f: {  	s4 =	ssub.s32 $0x0, s20;
	[sflag:s22] =	ssyncset.done $0x0  }
0xa0: {  	[sflag:s22] =	ssyncadd.s32 s4;
	_ =	sdelay $0x1  }
0xa1: {  	s23 =	simm.s32 $0x1B8B  }
0xa2: {  	_ =	swait.ge [sflag:s23], $0x1  }
0xa3: {  	[sflag:s23] =	ssyncset.done $0x0  }
0xa4: {  	s25 =	simm.s32 $0x1B8E;
	s24 =	sld [smem:$0x3FFE];
	[sflag:s23] =	ssyncadd.s32 $0xFFFFFFFF  }
0xa5: {  	s26 =	simm.s32 $execute0_lowered;
	[smem:$0x3FD2] =	sst s25  }
0xa6: {  	s5 =	sshll.u32 s26, $0x1;
	_ =	strace $0x80000046;
	[dreg:$0x1] =	wrdreg $0xFFFFFFFF  }
0xa7: {  	s28 =	simm.s32 $_size_execute0_lowered;
	s3 =	sadd.s32 s3, s5;
	[dreg:$0x0] =	wrdreg $0x0  }
0xa8: {  	s5 =	sshll.u32 s28, $0x1;
	[dreg:$0x2] =	wrdreg s3  }
0xa9: {  	[dreg:$0x3] =	wrdreg s5  }
0xaa: {  	[dreg:$0x4] =	wrdreg $0xC0  }
0xab: {  	_ =	task [dreg:s7], $0x5FFFF  }
0xac: {  	[dreg:$0x1] =	wrdreg $0xFFFFFFFF  }
0xad: {  	[dreg:$0x0] =	wrdreg $0x60  }
0xae: {  	[dreg:$0x2] =	wrdreg s2  }
0xaf: {  	[dreg:$0x3] =	wrdreg s24  }
0xb0: {  	[dreg:$0x4] =	wrdreg $0x9  }
0xb1: {  	_ =	task.clear_ibuf [dreg:s7], $0x5FFFF;
	_ =	strace $0x90000046  }
0xb2: {  	s29 =	simm.s32 $0x9;
	_ =	strace $0x80000048  }
0xb3: {  	_ =	swait.ge [sflag:s29], $0x1  }
0xb4: {  	[sflag:s29] =	ssyncadd.s32 $0xFFFFFFFF  }
0xb5: {  	_ =	strace $0x90000048  }
0xb6: {  	_ =	sfence  }
0xb7: {  	s30 =	sld [smem:$0x0];
	_ =	sdelay $0x2  }
0xb8: {  	s31 =	sshll.u32 s1, $0xD;
	s1 =	sshrl.u32 s1, $0x2  }
0xb9: {  	s3 =	sand.u32 $0x4000, s31;
	s1 =	sadd.s32 s1, s30  }
0xba: {  	s0 =	sor.u32 s3, s0;
	s1 =	sshll.u32 s1, $0x11  }
0xbb: {  	s0 =	sor.u32 s1, s0  }
0xbc: {  	s0 =	sadd.s32 $0x8F2B, s0  }
0xbd: {  	[sflag:s0] =	ssyncadd.remote.s32 $0x1  }
0xbe: {  	_ =	sfence.sel $0xFFFF  }
0xbf: {  	[dreg:$0x0] =	wrdreg $0xFFFFFFFF;
	(pc) =	sbr.abs _section_cstart, $3  }
0xc0: {  	[dreg:$0x1] =	wrdreg $0xFFFFFFFF  }
0xc1: {  	_ =	task.clear_ibuf [dreg:s7], $0x2FFFF;
	_ =	strace $0x9FFFFFFF  }
0xc2: {  	(tm) =	ssettm $0x7FFFFFFF  }
0xc3: {  	_ =	shalt  }
tec
execute0_lowered:
.L_overlay_start_1:
0x0: {  	(tag) =	ssettag $0x1  }
0x1: {  	s0 =	srdreg.scid  }
0x2: {  	s2 =	stileid.u32;
	s21 =	rddreg [dreg:$0x1];
	s3 =	simm.s32 $0x0  }
0x3: {  	s1 =	sand.u32 $0x1, s0;
	s11 =	sshll.u32 s2, $0x1;
	s2 =	rddreg [dreg:$0x0]  }
0x4: {  	[smem:$0x7FF] =	sst s3;
	s20 =	sor.u32 s1, s11  }
0x5: {  	s13 =	sadd.s32 $0xC00, s21;
	s0 =	smul.u32 $0x1D, s20;
	s22 =	sor.u32 $0x20, s20  }
0x6: {  	_ =	strace $0x80000047;
	s24 =	sor.u32 $0x40, s20;
	s5 =	smul.u32 $0x39, s22  }
0x7: {  	s25 =	sor.u32 $0x60, s20;
	s26 =	sor.u32 $0x80, s20;
	s7 =	smul.u32 $0x39, s24  }
0x8: {  	s28 =	sor.u32 $0xA0, s20;
	s29 =	sor.u32 $0xC0, s20;
	s15 =	smul.u32 $0x39, s25  }
0x9: {  	s30 =	sor.u32 $0xE0, s20;
	s18 =	smul.u32 $0x39, s26;
	s4 =	sshrl.u32 s0, $0x8  }
0xa: {  	s31 =	sor.u32 $0x100, s20;
	s4 =	smul.u32 $0x9, s4;
	s5 =	sshrl.u32 s5, $0x9  }
0xb: {  	s0 =	sand.u32 $0x300, s0;
	s14 =	sshrl.u32 s7, $0x9;
	s6 =	smul.u32 $0x9, s5  }
0xc: {  	s7 =	sshrl.u32 s15, $0x9;
	s17 =	smul.u32 $0x9, s14;
	s4 =	ssub.s32 s20, s4  }
0xd: {  	s5 =	sshll.u32 s5, $0x8;
	s8 =	smul.u32 $0x9, s7;
	s4 =	sshll.u32 s4, $0x4  }
0xe: {  	s19 =	sshll.u32 s14, $0x8;
	s10 =	sshll.u32 s7, $0x8;
	s4 =	sand.u32 $0xF0, s4  }
0xf: {  	s7 =	simm.s32 $0x200;
	s12 =	ssub.s32 s20, s6;
	s4 =	sadd.s32 s4, s13  }
0x10: {  	s23 =	ssub.s32 s20, s8;
	s0 =	sadd.s32 s0, s4;
	s4 =	sshll.u32 s12, $0x4  }
0x11: {  	s8 =	sshll.u32 s23, $0x4;
	s12 =	smul.u32 $0x39, s28;
	s16 =	sand.u32 $0xF0, s4  }
0x12: {  	[dreg:$0x3] =	wrdreg s0;
	s4 =	ssub.s32 s20, s17;
	s0 =	sadd.s32 s16, s13  }
0x13: {  	s4 =	sshll.u32 s4, $0x4;
	s16 =	sshrl.u32 s12, $0x9;
	s12 =	smul.u32 $0x39, s29  }
0x14: {  	s0 =	sadd.s32 s5, s0;
	s5 =	sshrl.u32 s18, $0x9;
	s18 =	rddreg [dreg:$0x3]  }
0x15: {  	s4 =	sand.u32 $0xF0, s4;
	s17 =	smul.u32 $0x9, s16;
	[dreg:$0x4] =	wrdreg s0  }
0x16: {  	s4 =	sadd.s32 s4, s13;
	s9 =	smul.u32 $0x9, s5;
	s15 =	sshll.u32 s5, $0x8  }
0x17: {  	[tilespmem:s3], [sflag:$0x1] =	stream.linear.gather [hbm4b:s18+s3], $0x80, $0x38;
	[tilespmem:$0xC800] =	vst v63  }
0x18: {  	s5 =	simm.s32 $0x100;
	s0 =	sadd.s32 s19, s4;
	s4 =	sand.u32 $0xF0, s8  }
0x19: {  	s19 =	sshll.u32 s16, $0x8;
	s23 =	ssub.s32 s20, s17;
	[dreg:$0x5] =	wrdreg s0  }
0x1a: {  	s4 =	sadd.s32 s4, s13;
	s6 =	ssub.s32 s20, s9;
	s9 =	sshrl.u32 s12, $0x9  }
0x1b: {  	s8 =	sshll.u32 s23, $0x4;
	s0 =	sadd.s32 s10, s4;
	s11 =	sshll.u32 s6, $0x4  }
0x1c: {  	s4 =	simm.s32 $0x80;
	s10 =	smul.u32 $0x39, s30;
	s6 =	simm.s32 $0x180  }
0x1d: {  	s12 =	smul.u32 $0x9, s9;
	[dreg:$0x6] =	wrdreg s0;
	s14 =	sand.u32 $0xF0, s11  }
0x1e: {  	s8 =	sand.u32 $0xF0, s8;
	s0 =	sadd.s32 s14, s13;
	s14 =	rddreg [dreg:$0x4]  }
0x1f: {  	s9 =	sshll.u32 s9, $0x8;
	s8 =	sadd.s32 s8, s13;
	s16 =	rddreg [dreg:$0x6]  }
0x20: {  	s10 =	sshrl.u32 s10, $0x9;
	s12 =	ssub.s32 s20, s12;
	s8 =	sadd.s32 s19, s8  }
0x21: {  	[tilespmem:s4], [sflag:$0x1] =	stream.linear.gather [hbm4b:s14+s3], $0x80, $0x38;
	[tilespmem:$0xC800] =	vst v63  }
0x22: {  	s0 =	sadd.s32 s15, s0;
	s15 =	rddreg [dreg:$0x5];
	s17 =	smul.u32 $0x9, s10  }
0x23: {  	[tilespmem:s5], [sflag:$0x1] =	stream.linear.gather [hbm4b:s15+s3], $0x80, $0x38;
	[tilespmem:$0xC800] =	vst v63  }
0x24: {  	s14 =	smul.u32 $0x1C72, s31;
	s12 =	sshll.u32 s12, $0x4;
	[dreg:$0x7] =	wrdreg s0  }
0x25: {  	[tilespmem:s6], [sflag:$0x1] =	stream.linear.gather [hbm4b:s16+s3], $0x80, $0x38;
	[tilespmem:$0xC800] =	vst v63  }
0x26: {  	s10 =	sshll.u32 s10, $0x8;
	s11 =	rddreg [dreg:$0x7];
	s15 =	sshrl.u32 s14, $0x10  }
0x27: {  	[tilespmem:s7], [sflag:$0x1] =	stream.linear.gather [hbm4b:s11+s3], $0x80, $0x38;
	[tilespmem:$0xC800] =	vst v63  }
0x28: {  	s12 =	sand.u32 $0xF0, s12;
	s15 =	smul.u32 $0x9, s15;
	s11 =	ssub.s32 s20, s17  }
0x29: {  	s12 =	sadd.s32 s12, s13;
	s14 =	sshrl.u32 s14, $0x8;
	s11 =	sshll.u32 s11, $0x4  }
0x2a: {  	s9 =	sadd.s32 s9, s12;
	s19 =	ssub.s32 s31, s15;
	s18 =	sand.u32 $0xF0, s11  }
0x2b: {  	s23 =	sshll.u32 s19, $0x4;
	s11 =	simm.s32 $0x280;
	s0 =	sadd.s32 s18, s13  }
0x2c: {  	[tilespmem:s11], [sflag:$0x1] =	stream.linear.gather [hbm4b:s8+s3], $0x80, $0x38;
	[tilespmem:$0xC800] =	vst v63  }
0x2d: {  	s12 =	simm.s32 $0x300;
	s10 =	sadd.s32 s10, s0;
	s0 =	sand.u32 $0xFFF0, s23  }
0x2e: {  	[tilespmem:s12], [sflag:$0x1] =	stream.linear.gather [hbm4b:s9+s3], $0x80, $0x38;
	[tilespmem:$0xC800] =	vst v63  }
0x2f: {  	s14 =	sand.u32 $0x1F00, s14;
	s0 =	sadd.s32 s0, s13;
	s13 =	simm.s32 $0x380  }
0x30: {  	[tilespmem:s13], [sflag:$0x1] =	stream.linear.gather [hbm4b:s10+s3], $0x80, $0x38;
	[tilespmem:$0xC800] =	vst v63  }
0x31: {  	s16 =	simm.s32 $0x1;
	s15 =	simm.s32 $0x400;
	s14 =	sadd.s32 s14, s0  }
0x32: {  	[tilespmem:s15], [sflag:$0x1] =	stream.linear.gather [hbm4b:s14+s3], $0x80, $0x38;
	[tilespmem:$0xC800] =	vst v63  }
0x33: {  	_ =	swait.ge [sflag:s16], $0x80  }
0x34: {  	[sflag:s16] =	ssyncset.done $0x0  }
0x35: {  	s17 =	simm.s32 $0x800;
	[sflag:s16] =	ssyncadd.s32 $0xFFFFFF80  }
0x36: {  	[tilespmem:s17], [sflag:$0x2] =	stream.indirect.gather [hbm4b:s2+s4], $0x80, s3, s4, $0xb8;
	[tilespmem:$0xC800] =	vst v63  }
0x37: {  	_ =	swait.ge [sflag:s16], $0x80  }
0x38: {  	[sflag:s16] =	ssyncset.done $0x0  }
0x39: {  	s19 =	simm.s32 $0x2;
	s18 =	simm.s32 $0x4800;
	[sflag:s16] =	ssyncadd.s32 $0xFFFFFF80  }
0x3a: {  	[tilespmem:s18], [sflag:$0x2] =	stream.indirect.gather [hbm4b:s2+s4], $0x80, s4, s4, $0xb8;
	[tilespmem:$0xC800] =	vst v63  }
0x3b: {  	_ =	swait.ge [sflag:s19], $0x4000  }
0x3c: {  	s20 =	sshll.u32 s20, $0xB;
	s0 =	sadd.s32 $0x2C00, s21;
	[sflag:s19] =	ssyncset.done $0x0  }
0x3d: {  	s20 =	sadd.s32 s0, s20;
	[sflag:s19] =	ssyncadd.s32 $0xFFFFC000  }
0x3e: {  	[hbm4b:s20+s3] =	stream.linear.scatter [tilespmem:s17], [sflag:$0x3], $0x4000, $0x38;
	[tilespmem:$0xC800] =	vst v63  }
0x3f: {  	_ =	swait.ge [sflag:s16], $0x80  }
0x40: {  	[sflag:s16] =	ssyncset.done $0x0  }
0x41: {  	s21 =	simm.s32 $0x8800;
	[sflag:s16] =	ssyncadd.s32 $0xFFFFFF80  }
0x42: {  	[tilespmem:s21], [sflag:$0x2] =	stream.indirect.gather [hbm4b:s2+s4], $0x80, s5, s4, $0xb8;
	[tilespmem:$0xC800] =	vst v63  }
0x43: {  	_ =	swait.ge [sflag:s19], $0x4000  }
0x44: {  	s22 =	sshll.u32 s22, $0xB;
	[sflag:s19] =	ssyncset.done $0x0  }
0x45: {  	s23 =	simm.s32 $0x3;
	s22 =	sadd.s32 s0, s22;
	[sflag:s19] =	ssyncadd.s32 $0xFFFFC000  }
0x46: {  	[hbm4b:s22+s3] =	stream.linear.scatter [tilespmem:s18], [sflag:$0x3], $0x4000, $0x38;
	[tilespmem:$0xC800] =	vst v63  }
0x47: {  	_ =	swait.ge [sflag:s23], $0x4000  }
0x48: {  	[sflag:s23] =	ssyncset.done $0x0  }
0x49: {  	[sflag:s23] =	ssyncadd.s32 $0xFFFFC000  }
0x4a: {  	_ =	swait.ge [sflag:s16], $0x80  }
0x4b: {  	[sflag:s16] =	ssyncset.done $0x0  }
0x4c: {  	[sflag:s16] =	ssyncadd.s32 $0xFFFFFF80  }
0x4d: {  	[tilespmem:s17], [sflag:$0x2] =	stream.indirect.gather [hbm4b:s2+s4], $0x80, s6, s4, $0xb8;
	[tilespmem:$0xC800] =	vst v63  }
0x4e: {  	_ =	swait.ge [sflag:s19], $0x4000  }
0x4f: {  	s24 =	sshll.u32 s24, $0xB;
	[sflag:s19] =	ssyncset.done $0x0  }
0x50: {  	s24 =	sadd.s32 s0, s24;
	[sflag:s19] =	ssyncadd.s32 $0xFFFFC000  }
0x51: {  	[hbm4b:s24+s3] =	stream.linear.scatter [tilespmem:s21], [sflag:$0x3], $0x4000, $0x38;
	[tilespmem:$0xC800] =	vst v63  }
0x52: {  	_ =	swait.ge [sflag:s23], $0x4000  }
0x53: {  	[sflag:s23] =	ssyncset.done $0x0  }
0x54: {  	[sflag:s23] =	ssyncadd.s32 $0xFFFFC000  }
0x55: {  	_ =	swait.ge [sflag:s16], $0x80  }
0x56: {  	[sflag:s16] =	ssyncset.done $0x0  }
0x57: {  	[sflag:s16] =	ssyncadd.s32 $0xFFFFFF80  }
0x58: {  	[tilespmem:s18], [sflag:$0x2] =	stream.indirect.gather [hbm4b:s2+s4], $0x80, s7, s4, $0xb8;
	[tilespmem:$0xC800] =	vst v63  }
0x59: {  	_ =	swait.ge [sflag:s19], $0x4000  }
0x5a: {  	s25 =	sshll.u32 s25, $0xB;
	[sflag:s19] =	ssyncset.done $0x0  }
0x5b: {  	s25 =	sadd.s32 s0, s25;
	[sflag:s19] =	ssyncadd.s32 $0xFFFFC000  }
0x5c: {  	[hbm4b:s25+s3] =	stream.linear.scatter [tilespmem:s17], [sflag:$0x3], $0x4000, $0x38;
	[tilespmem:$0xC800] =	vst v63  }
0x5d: {  	_ =	swait.ge [sflag:s23], $0x4000  }
0x5e: {  	[sflag:s23] =	ssyncset.done $0x0  }
0x5f: {  	[sflag:s23] =	ssyncadd.s32 $0xFFFFC000  }
0x60: {  	_ =	swait.ge [sflag:s16], $0x80  }
0x61: {  	[sflag:s16] =	ssyncset.done $0x0  }
0x62: {  	[sflag:s16] =	ssyncadd.s32 $0xFFFFFF80  }
0x63: {  	[tilespmem:s21], [sflag:$0x2] =	stream.indirect.gather [hbm4b:s2+s4], $0x80, s11, s4, $0xb8;
	[tilespmem:$0xC800] =	vst v63  }
0x64: {  	_ =	swait.ge [sflag:s19], $0x4000  }
0x65: {  	s26 =	sshll.u32 s26, $0xB;
	[sflag:s19] =	ssyncset.done $0x0  }
0x66: {  	s26 =	sadd.s32 s0, s26;
	[sflag:s19] =	ssyncadd.s32 $0xFFFFC000  }
0x67: {  	[hbm4b:s26+s3] =	stream.linear.scatter [tilespmem:s18], [sflag:$0x3], $0x4000, $0x38;
	[tilespmem:$0xC800] =	vst v63  }
0x68: {  	_ =	swait.ge [sflag:s23], $0x4000  }
0x69: {  	[sflag:s23] =	ssyncset.done $0x0  }
0x6a: {  	[sflag:s23] =	ssyncadd.s32 $0xFFFFC000  }
0x6b: {  	_ =	swait.ge [sflag:s16], $0x80  }
0x6c: {  	[sflag:s16] =	ssyncset.done $0x0  }
0x6d: {  	[sflag:s16] =	ssyncadd.s32 $0xFFFFFF80  }
0x6e: {  	[tilespmem:s17], [sflag:$0x2] =	stream.indirect.gather [hbm4b:s2+s4], $0x80, s12, s4, $0xb8;
	[tilespmem:$0xC800] =	vst v63  }
0x6f: {  	_ =	swait.ge [sflag:s19], $0x4000  }
0x70: {  	s28 =	sshll.u32 s28, $0xB;
	[sflag:s19] =	ssyncset.done $0x0  }
0x71: {  	s28 =	sadd.s32 s0, s28;
	[sflag:s19] =	ssyncadd.s32 $0xFFFFC000  }
0x72: {  	[hbm4b:s28+s3] =	stream.linear.scatter [tilespmem:s21], [sflag:$0x3], $0x4000, $0x38;
	[tilespmem:$0xC800] =	vst v63  }
0x73: {  	_ =	swait.ge [sflag:s23], $0x4000  }
0x74: {  	[sflag:s23] =	ssyncset.done $0x0  }
0x75: {  	[sflag:s23] =	ssyncadd.s32 $0xFFFFC000  }
0x76: {  	_ =	swait.ge [sflag:s16], $0x80  }
0x77: {  	[sflag:s16] =	ssyncset.done $0x0  }
0x78: {  	[sflag:s16] =	ssyncadd.s32 $0xFFFFFF80  }
0x79: {  	[tilespmem:s18], [sflag:$0x2] =	stream.indirect.gather [hbm4b:s2+s4], $0x80, s13, s4, $0xb8;
	[tilespmem:$0xC800] =	vst v63  }
0x7a: {  	_ =	swait.ge [sflag:s19], $0x4000  }
0x7b: {  	s29 =	sshll.u32 s29, $0xB;
	[sflag:s19] =	ssyncset.done $0x0  }
0x7c: {  	s29 =	sadd.s32 s0, s29;
	[sflag:s19] =	ssyncadd.s32 $0xFFFFC000  }
0x7d: {  	[hbm4b:s29+s3] =	stream.linear.scatter [tilespmem:s17], [sflag:$0x3], $0x4000, $0x38;
	[tilespmem:$0xC800] =	vst v63  }
0x7e: {  	_ =	swait.ge [sflag:s23], $0x4000  }
0x7f: {  	[sflag:s23] =	ssyncset.done $0x0  }
0x80: {  	[sflag:s23] =	ssyncadd.s32 $0xFFFFC000  }
0x81: {  	_ =	swait.ge [sflag:s16], $0x80  }
0x82: {  	[sflag:s16] =	ssyncset.done $0x0  }
0x83: {  	[sflag:s16] =	ssyncadd.s32 $0xFFFFFF80  }
0x84: {  	[tilespmem:s21], [sflag:$0x2] =	stream.indirect.gather [hbm4b:s2+s4], $0x80, s15, s4, $0xb8;
	[tilespmem:$0xC800] =	vst v63  }
0x85: {  	_ =	swait.ge [sflag:s19], $0x4000  }
0x86: {  	s30 =	sshll.u32 s30, $0xB;
	[sflag:s19] =	ssyncset.done $0x0  }
0x87: {  	s30 =	sadd.s32 s0, s30;
	[sflag:s19] =	ssyncadd.s32 $0xFFFFC000  }
0x88: {  	[hbm4b:s30+s3] =	stream.linear.scatter [tilespmem:s18], [sflag:$0x3], $0x4000, $0x38;
	[tilespmem:$0xC800] =	vst v63  }
0x89: {  	s7 =	ssub.s32 $0x2, s1;
	_ =	swait.ge [sflag:s19], $0x4000  }
0x8a: {  	s31 =	sshll.u32 s31, $0xB;
	s1 =	sshrl.u32 s7, $0x1;
	[sflag:s19] =	ssyncset.done $0x0  }
0x8b: {  	s31 =	sadd.s32 s0, s31;
	s0 =	ssub.s32 s7, s1;
	[sflag:s19] =	ssyncadd.s32 $0xFFFFC000  }
0x8c: {  	[hbm4b:s31+s3] =	stream.linear.scatter [tilespmem:s21], [sflag:$0x3], $0x4000, $0x38;
	[tilespmem:$0xC800] =	vst v63  }
0x8d: {  	s0 =	smax.u32 s0, $0x1;
	_ =	swait.ge [sflag:s23], $0x4000  }
0x8e: {  	p0 =	sne.s32 s0, $0x1;
	[sflag:s23] =	ssyncset.done $0x0  }
.Ltmp0:
0x8f: {  	[sflag:s23] =	ssyncadd.s32 $0xFFFFC000;
	(pc) =	sbr.rel @!p0 .LBB2_3-.Ltmp0, $4  }
0x90: {  	_ =	swait.ge [sflag:s23], $0x4000  }
0x91: {  	[sflag:s23] =	ssyncset.done $0x0  }
0x92: {  	[sflag:s23] =	ssyncadd.s32 $0xFFFFC000  }
0x93: {  	s1 =	sadd.s32 $0xFFFFFFFF, s0;
	_ =	swait.ge [sflag:s23], $0x4000  }
0x94: {  	s6 =	simm.s32 $0x100;
	s7 =	simm.s32 $0x180  }
.LBB2_2:
0x95: {  	[sflag:s23] =	ssyncset.done $0x0  }
0x96: {  	s0 =	rddreg [dreg:$0x3];
	[sflag:s23] =	ssyncadd.s32 $0xFFFFC000  }
0x97: {  	[tilespmem:s3], [sflag:$0x1] =	stream.linear.gather [hbm4b:s0+s3], $0x80, $0x38;
	[tilespmem:$0xC800] =	vst v63  }
0x98: {  	s5 =	rddreg [dreg:$0x4]  }
0x99: {  	[tilespmem:s4], [sflag:$0x1] =	stream.linear.gather [hbm4b:s5+s3], $0x80, $0x38;
	[tilespmem:$0xC800] =	vst v63  }
0x9a: {  	s0 =	rddreg [dreg:$0x5]  }
0x9b: {  	[tilespmem:s6], [sflag:$0x1] =	stream.linear.gather [hbm4b:s0+s3], $0x80, $0x38;
	[tilespmem:$0xC800] =	vst v63  }
0x9c: {  	s5 =	rddreg [dreg:$0x6]  }
0x9d: {  	[tilespmem:s7], [sflag:$0x1] =	stream.linear.gather [hbm4b:s5+s3], $0x80, $0x38;
	[tilespmem:$0xC800] =	vst v63  }
0x9e: {  	s0 =	rddreg [dreg:$0x7];
	s5 =	simm.s32 $0x200  }
0x9f: {  	[tilespmem:s5], [sflag:$0x1] =	stream.linear.gather [hbm4b:s0+s3], $0x80, $0x38;
	[tilespmem:$0xC800] =	vst v63  }
0xa0: {  	_ = 	snop  }
0xa1: {  	[tilespmem:s11], [sflag:$0x1] =	stream.linear.gather [hbm4b:s8+s3], $0x80, $0x38;
	[tilespmem:$0xC800] =	vst v63  }
0xa2: {  	_ = 	snop  }
0xa3: {  	[tilespmem:s12], [sflag:$0x1] =	stream.linear.gather [hbm4b:s9+s3], $0x80, $0x38;
	[tilespmem:$0xC800] =	vst v63  }
0xa4: {  	_ = 	snop  }
0xa5: {  	[tilespmem:s13], [sflag:$0x1] =	stream.linear.gather [hbm4b:s10+s3], $0x80, $0x38;
	[tilespmem:$0xC800] =	vst v63  }
0xa6: {  	_ = 	snop  }
0xa7: {  	[tilespmem:s15], [sflag:$0x1] =	stream.linear.gather [hbm4b:s14+s3], $0x80, $0x38;
	[tilespmem:$0xC800] =	vst v63  }
0xa8: {  	_ =	swait.ge [sflag:s16], $0x80  }
0xa9: {  	[sflag:s16] =	ssyncset.done $0x0  }
0xaa: {  	[sflag:s16] =	ssyncadd.s32 $0xFFFFFF80  }
0xab: {  	[tilespmem:s17], [sflag:$0x2] =	stream.indirect.gather [hbm4b:s2+s4], $0x80, s3, s4, $0xb8;
	[tilespmem:$0xC800] =	vst v63  }
0xac: {  	_ =	swait.ge [sflag:s16], $0x80  }
0xad: {  	[sflag:s16] =	ssyncset.done $0x0  }
0xae: {  	[sflag:s16] =	ssyncadd.s32 $0xFFFFFF80  }
0xaf: {  	[tilespmem:s18], [sflag:$0x2] =	stream.indirect.gather [hbm4b:s2+s4], $0x80, s4, s4, $0xb8;
	[tilespmem:$0xC800] =	vst v63  }
0xb0: {  	_ =	swait.ge [sflag:s19], $0x4000  }
0xb1: {  	[sflag:s19] =	ssyncset.done $0x0  }
0xb2: {  	[sflag:s19] =	ssyncadd.s32 $0xFFFFC000  }
0xb3: {  	[hbm4b:s20+s3] =	stream.linear.scatter [tilespmem:s17], [sflag:$0x3], $0x4000, $0x38;
	[tilespmem:$0xC800] =	vst v63  }
0xb4: {  	_ =	swait.ge [sflag:s16], $0x80  }
0xb5: {  	[sflag:s16] =	ssyncset.done $0x0  }
0xb6: {  	[sflag:s16] =	ssyncadd.s32 $0xFFFFFF80  }
0xb7: {  	[tilespmem:s21], [sflag:$0x2] =	stream.indirect.gather [hbm4b:s2+s4], $0x80, s6, s4, $0xb8;
	[tilespmem:$0xC800] =	vst v63  }
0xb8: {  	_ =	swait.ge [sflag:s19], $0x4000  }
0xb9: {  	[sflag:s19] =	ssyncset.done $0x0  }
0xba: {  	[sflag:s19] =	ssyncadd.s32 $0xFFFFC000  }
0xbb: {  	[hbm4b:s22+s3] =	stream.linear.scatter [tilespmem:s18], [sflag:$0x3], $0x4000, $0x38;
	[tilespmem:$0xC800] =	vst v63  }
0xbc: {  	_ =	swait.ge [sflag:s23], $0x4000  }
0xbd: {  	[sflag:s23] =	ssyncset.done $0x0  }
0xbe: {  	[sflag:s23] =	ssyncadd.s32 $0xFFFFC000  }
0xbf: {  	_ =	swait.ge [sflag:s16], $0x80  }
0xc0: {  	[sflag:s16] =	ssyncset.done $0x0  }
0xc1: {  	[sflag:s16] =	ssyncadd.s32 $0xFFFFFF80  }
0xc2: {  	[tilespmem:s17], [sflag:$0x2] =	stream.indirect.gather [hbm4b:s2+s4], $0x80, s7, s4, $0xb8;
	[tilespmem:$0xC800] =	vst v63  }
0xc3: {  	_ =	swait.ge [sflag:s19], $0x4000  }
0xc4: {  	[sflag:s19] =	ssyncset.done $0x0  }
0xc5: {  	[sflag:s19] =	ssyncadd.s32 $0xFFFFC000  }
0xc6: {  	[hbm4b:s24+s3] =	stream.linear.scatter [tilespmem:s21], [sflag:$0x3], $0x4000, $0x38;
	[tilespmem:$0xC800] =	vst v63  }
0xc7: {  	_ =	swait.ge [sflag:s23], $0x4000  }
0xc8: {  	[sflag:s23] =	ssyncset.done $0x0  }
0xc9: {  	[sflag:s23] =	ssyncadd.s32 $0xFFFFC000  }
0xca: {  	_ =	swait.ge [sflag:s16], $0x80  }
0xcb: {  	[sflag:s16] =	ssyncset.done $0x0  }
0xcc: {  	[sflag:s16] =	ssyncadd.s32 $0xFFFFFF80  }
0xcd: {  	[tilespmem:s18], [sflag:$0x2] =	stream.indirect.gather [hbm4b:s2+s4], $0x80, s5, s4, $0xb8;
	[tilespmem:$0xC800] =	vst v63  }
0xce: {  	_ =	swait.ge [sflag:s19], $0x4000  }
0xcf: {  	[sflag:s19] =	ssyncset.done $0x0  }
0xd0: {  	[sflag:s19] =	ssyncadd.s32 $0xFFFFC000  }
0xd1: {  	[hbm4b:s25+s3] =	stream.linear.scatter [tilespmem:s17], [sflag:$0x3], $0x4000, $0x38;
	[tilespmem:$0xC800] =	vst v63  }
0xd2: {  	_ =	swait.ge [sflag:s23], $0x4000  }
0xd3: {  	[sflag:s23] =	ssyncset.done $0x0  }
0xd4: {  	[sflag:s23] =	ssyncadd.s32 $0xFFFFC000  }
0xd5: {  	_ =	swait.ge [sflag:s16], $0x80  }
0xd6: {  	[sflag:s16] =	ssyncset.done $0x0  }
0xd7: {  	[sflag:s16] =	ssyncadd.s32 $0xFFFFFF80  }
0xd8: {  	[tilespmem:s21], [sflag:$0x2] =	stream.indirect.gather [hbm4b:s2+s4], $0x80, s11, s4, $0xb8;
	[tilespmem:$0xC800] =	vst v63  }
0xd9: {  	_ =	swait.ge [sflag:s19], $0x4000  }
0xda: {  	[sflag:s19] =	ssyncset.done $0x0  }
0xdb: {  	[sflag:s19] =	ssyncadd.s32 $0xFFFFC000  }
0xdc: {  	[hbm4b:s26+s3] =	stream.linear.scatter [tilespmem:s18], [sflag:$0x3], $0x4000, $0x38;
	[tilespmem:$0xC800] =	vst v63  }
0xdd: {  	_ =	swait.ge [sflag:s23], $0x4000  }
0xde: {  	[sflag:s23] =	ssyncset.done $0x0  }
0xdf: {  	[sflag:s23] =	ssyncadd.s32 $0xFFFFC000  }
0xe0: {  	_ =	swait.ge [sflag:s16], $0x80  }
0xe1: {  	[sflag:s16] =	ssyncset.done $0x0  }
0xe2: {  	[sflag:s16] =	ssyncadd.s32 $0xFFFFFF80  }
0xe3: {  	[tilespmem:s17], [sflag:$0x2] =	stream.indirect.gather [hbm4b:s2+s4], $0x80, s12, s4, $0xb8;
	[tilespmem:$0xC800] =	vst v63  }
0xe4: {  	_ =	swait.ge [sflag:s19], $0x4000  }
0xe5: {  	[sflag:s19] =	ssyncset.done $0x0  }
0xe6: {  	[sflag:s19] =	ssyncadd.s32 $0xFFFFC000  }
0xe7: {  	[hbm4b:s28+s3] =	stream.linear.scatter [tilespmem:s21], [sflag:$0x3], $0x4000, $0x38;
	[tilespmem:$0xC800] =	vst v63  }
0xe8: {  	_ =	swait.ge [sflag:s23], $0x4000  }
0xe9: {  	[sflag:s23] =	ssyncset.done $0x0  }
0xea: {  	[sflag:s23] =	ssyncadd.s32 $0xFFFFC000  }
0xeb: {  	_ =	swait.ge [sflag:s16], $0x80  }
0xec: {  	[sflag:s16] =	ssyncset.done $0x0  }
0xed: {  	[sflag:s16] =	ssyncadd.s32 $0xFFFFFF80  }
0xee: {  	[tilespmem:s18], [sflag:$0x2] =	stream.indirect.gather [hbm4b:s2+s4], $0x80, s13, s4, $0xb8;
	[tilespmem:$0xC800] =	vst v63  }
0xef: {  	_ =	swait.ge [sflag:s19], $0x4000  }
0xf0: {  	[sflag:s19] =	ssyncset.done $0x0  }
0xf1: {  	[sflag:s19] =	ssyncadd.s32 $0xFFFFC000  }
0xf2: {  	[hbm4b:s29+s3] =	stream.linear.scatter [tilespmem:s17], [sflag:$0x3], $0x4000, $0x38;
	[tilespmem:$0xC800] =	vst v63  }
0xf3: {  	_ =	swait.ge [sflag:s23], $0x4000  }
0xf4: {  	[sflag:s23] =	ssyncset.done $0x0  }
0xf5: {  	[sflag:s23] =	ssyncadd.s32 $0xFFFFC000  }
0xf6: {  	_ =	swait.ge [sflag:s16], $0x80  }
0xf7: {  	[sflag:s16] =	ssyncset.done $0x0  }
0xf8: {  	[sflag:s16] =	ssyncadd.s32 $0xFFFFFF80  }
0xf9: {  	[tilespmem:s21], [sflag:$0x2] =	stream.indirect.gather [hbm4b:s2+s4], $0x80, s15, s4, $0xb8;
	[tilespmem:$0xC800] =	vst v63  }
0xfa: {  	_ =	swait.ge [sflag:s19], $0x4000  }
0xfb: {  	[sflag:s19] =	ssyncset.done $0x0  }
0xfc: {  	[sflag:s19] =	ssyncadd.s32 $0xFFFFC000  }
0xfd: {  	[hbm4b:s30+s3] =	stream.linear.scatter [tilespmem:s18], [sflag:$0x3], $0x4000, $0x38;
	[tilespmem:$0xC800] =	vst v63  }
0xfe: {  	_ =	swait.ge [sflag:s19], $0x4000  }
0xff: {  	[sflag:s19] =	ssyncset.done $0x0  }
0x100: {  	[sflag:s19] =	ssyncadd.s32 $0xFFFFC000  }
0x101: {  	[hbm4b:s31+s3] =	stream.linear.scatter [tilespmem:s21], [sflag:$0x3], $0x4000, $0x38;
	[tilespmem:$0xC800] =	vst v63  }
0x102: {  	_ =	swait.ge [sflag:s23], $0x4000  }
0x103: {  	p0 =	sne.s32 s1, $0x1;
	[sflag:s23] =	ssyncset.done $0x0  }
.Ltmp1:
0x104: {  	[sflag:s23] =	ssyncadd.s32 $0xFFFFC000;
	(pc) =	sbr.rel @p0 .LBB2_2-.Ltmp1, $4  }
0x105: {  	_ =	swait.ge [sflag:s23], $0x4000  }
0x106: {  	[sflag:s23] =	ssyncset.done $0x0  }
0x107: {  	[sflag:s23] =	ssyncadd.s32 $0xFFFFC000  }
0x108: {  	s1 =	sadd.s32 $0xFFFFFFFF, s1;
	_ =	swait.ge [sflag:s23], $0x4000  }
.LBB2_3:
0x109: {  	[sflag:s23] =	ssyncset.done $0x0  }
0x10a: {  	[sflag:s23] =	ssyncadd.s32 $0xFFFFC000  }
0x10b: {  	_ =	sfence.sel $0x180000  }
0x10c: {  	[bflag:$0x0] =	sbarrier.arrive $0xFFFF  }
0x10d: {  	_ =	strace $0x90000047  }
0x10e: {  	s0 =	stileid.u32;
	[bflag:$0x2] =	sbarrier.arrive $0xFFFF  }
0x10f: {  	p0 =	sne.s32 s0, $0x0;
	s0 =	rddreg [dreg:$0x2]  }
0x110: {  	s0 =	sadd.s32 @!p0 $0x100000, s0  }
0x111: {  	[sflag:s0] =	ssyncadd.tile.s32 @!p0 $0x1;
	_ =	shalt  }
.Lfunc_end2:
_tile_overlayer_lowered:
.L_overlay_start_2:
0x112: {  	(tag) =	ssettag $0x2  }
0x113: {  	s0 =	rddreg [dreg:$0x0];
	s2 =	stileid.u32  }
0x114: {  	s1 =	rddreg [dreg:$0x1];
	p0 =	sne.s32 s2, $0x0  }
0x115: {  	s3 =	rddreg [dreg:$0x2];
	[bflag:$0x3] =	sbarrier.arrive $0xFFFF;
	s2 =	simm.s32 @!p0 $0x1C04  }
0x116: {  	[timem:s3], [sflag:s2] =	dma.local @!p0 [hbm:s0], s1  }
0x117: {  	s0 =	simm.s32 @!p0 $0x4  }
0x118: {  	_ =	swait.ge @!p0 [sflag:s0], s1  }
0x119: {  	s1 =	ssub.s32 @!p0 $0x0, s1;
	[sflag:s0] =	ssyncset.done @!p0 $0x0  }
0x11a: {  	[sflag:s0] =	ssyncadd.s32 @!p0 s1  }
0x11b: {  	[bflag:$0x3] =	sbarrier.arrive $0xFFFF  }
0x11c: {  	_ =	shalt  }

</sc_bundles>
